<compile_context>
chip_gen: v7x
topology: tpu7x:2x2x1
jax: 0.10.2.dev20260603
libtpu: 0.0.44.dev20260713+nightly
codegen_flags: <defaults>
</compile_context>

<pallas_src>
import functools

import jax
import jax.numpy as jnp
from jax import lax
from jax.experimental import pallas as pl
from jax.experimental.pallas import tpu as pltpu
from jax.experimental.pallas import tpu_sc as plsc

BATCH = 16384
LANES = 16


def _make_kernel(num_cores, num_subcores):
    nw = num_cores * num_subcores
    pairs_per_w = BATCH // nw
    streams = pairs_per_w // 128
    groups = pairs_per_w // LANES

    mesh = plsc.VectorSubcoreMesh(core_axis_name="c", subcore_axis_name="s")

    @functools.partial(
        pl.kernel,
        mesh=mesh,
        out_type=jax.ShapeDtypeStruct((BATCH,), jnp.float32),
        scratch_types=[
            pltpu.VMEM((pairs_per_w,), jnp.int32),
            pltpu.VMEM((pairs_per_w,), jnp.int32),
            pltpu.VMEM((pairs_per_w,), jnp.float32),
            pltpu.VMEM((pairs_per_w,), jnp.float32),
            pltpu.VMEM((pairs_per_w,), jnp.float32),
            pltpu.SemaphoreType.DMA((2, 4)),
            pltpu.SemaphoreType.DMA((2, 4)),
            pltpu.SemaphoreType.DMA,
        ],
        compiler_params=pltpu.CompilerParams(
            needs_layout_passes=False,
            disable_bounds_checks=True,
            disable_semaphore_checks=True,
        ),
    )
    def bt_kernel(
        xt_hbm, s_hbm, out_hbm,
        wi_v, li_v, wv, lv, out_v, ssem, gsem, osem,
    ):
        wid = lax.axis_index("s") * num_cores + lax.axis_index("c")
        base = wid * pairs_per_w
        sides = ((xt_hbm.at[0], wi_v, wv), (xt_hbm.at[1], li_v, lv))
        stage = [
            [
                pltpu.async_copy(
                    src.at[pl.ds(base + j * 128, 128)],
                    idx.at[pl.ds(j * 128, 128)],
                    ssem.at[side, j],
                )
                for j in range(streams)
            ]
            for side, (src, idx, _) in enumerate(sides)
        ]
        gather = [[None] * streams, [None] * streams]
        for j in range(streams):
            for side, (_, idx, dst) in enumerate(sides):
                stage[side][j].wait()
                gather[side][j] = pltpu.async_copy(
                    s_hbm.at[idx.at[pl.ds(j * 128, 128)]],
                    dst.at[pl.ds(j * 128, 128)],
                    gsem.at[side, j],
                )
        out_copies = []
        for j in range(streams):
            gather[0][j].wait()
            gather[1][j].wait()

            def chunk_body(i, _):
                sl = pl.ds(i * LANES, LANES)
                s_w = wv[sl]
                out_v[sl] = s_w / (s_w + lv[sl])
                return 0

            lax.fori_loop(8 * j, 8 * (j + 1), chunk_body, 0, unroll=2)
            out_copies.append(
                pltpu.async_copy(
                    out_v.at[pl.ds(j * 128, 128)],
                    out_hbm.at[pl.ds(base + j * 128, 128)],
                    osem,
                )
            )
        for c in out_copies:
            c.wait()

    return bt_kernel


def kernel(x, strengths):
    info = plsc.get_sparse_core_info()
    fn = _make_kernel(info.num_cores, info.num_subcores)
    return fn(x.astype(jnp.int32).T, strengths)

# --- scband reference (transcript-rebuilt; emitter-appended) ---
"""Pipeline reference for scband-bradley-terry-68332929679629 (READ-ONLY COPY).

The authoritative reference and input builder live on the scoring server;
editing this copy changes nothing except your own understanding.
"""

import jax, jax.numpy as jnp
import numpy as np

TEAMS = 1000000
BATCH = 16384

def setup_inputs(seed: int = 0) -> dict:
    key = jax.random.key(seed)
    k1, _ = jax.random.split(key)
    x = jax.random.randint(k1, (BATCH, 2), 0, TEAMS, dtype=jnp.int64)
    strengths = jnp.ones((TEAMS,), dtype=jnp.float32)
    return {"x": x, "strengths": strengths}

def reference(x, strengths):
    winners = x[:, 0]
    losers = x[:, 1]
    s_w = jnp.take(strengths, winners, axis=0)
    s_l = jnp.take(strengths, losers, axis=0)
    probs = s_w / (s_w + s_l)
    return probs

if __name__ == "__main__":
    import jax
    _d = setup_inputs()
    print(jax.jit(kernel)(*tuple(_d.values())))

</pallas_src>

<mosaic_0001>
#map = affine_map<(d0, d1) -> (0, 0)>
#map1 = affine_map<(d0, d1) -> (0)>
module attributes {stable_mosaic.version = 14 : i64} {
  func.func @bt_kernel(%arg0: i32, %arg1: i32, %arg2: memref<2x16384xi32, #tpu.memory_space<hbm>>, %arg3: memref<1000000xf32, #tpu.memory_space<hbm>>, %arg4: memref<16384xf32, #tpu.memory_space<hbm>>, %arg5: memref<512xi32, #tpu.memory_space<vmem>>, %arg6: memref<512xi32, #tpu.memory_space<vmem>>, %arg7: memref<512xf32, #tpu.memory_space<vmem>>, %arg8: memref<512xf32, #tpu.memory_space<vmem>>, %arg9: memref<512xf32, #tpu.memory_space<vmem>>, %arg10: memref<2x4x!tpu.dma_semaphore, #tpu.memory_space<semaphore_mem>>, %arg11: memref<2x4x!tpu.dma_semaphore, #tpu.memory_space<semaphore_mem>>, %arg12: memref<!tpu.dma_semaphore, #tpu.memory_space<semaphore_mem>>) attributes {dimension_semantics = [#tpu.dimension_semantics<core_parallel>, #tpu.dimension_semantics<subcore_parallel>], iteration_bounds = array<i64: 2, 16>, scalar_prefetch = 0 : i64, scratch_operands = 8 : i64, tpu.core_type = #tpu.core_type<sc_vector_subcore>, window_params = [{transform_indices = #map}, {transform_indices = #map1}, {transform_indices = #map1}]} {
    %mul3A = arith.constant 2 : i32
    %mul3A_0 = arith.muli %arg1, %mul3A : i32
    %add3A = arith.addi %mul3A_0, %arg0 : i32
    %mul3A_1 = arith.constant 512 : i32
    %mul3A_2 = arith.muli %add3A, %mul3A_1 : i32
    %add3A_3 = arith.constant 0 : i32
    %add3A_4 = arith.addi %mul3A_2, %add3A_3 : i32
    %dma_start3A = arith.constant 0 : i32
    %dma_start3A_5 = arith.constant 0 : i32
    %dma_start3A_6 = arith.constant 0 : i32
    %dma_start3A_7 = arith.constant 0 : i32
    %dma_start3A_8 = tpu.memref_slice %arg5[%dma_start3A_7] : memref<512xi32, #tpu.memory_space<vmem>> -> memref<128xi32, #tpu.memory_space<vmem>>
    %dma_start3A_9 = arith.constant 0 : i32
    %dma_start3A_10 = tpu.memref_slice %arg2[%dma_start3A, %dma_start3A_9] : memref<2x16384xi32, #tpu.memory_space<hbm>> -> memref<1x16384xi32, #tpu.memory_space<hbm>>
    %dma_start3A_11 = tpu.memref_squeeze %dma_start3A_10 : memref<1x16384xi32, #tpu.memory_space<hbm>> -> memref<16384xi32, #tpu.memory_space<hbm>>
    %dma_start3A_12 = tpu.memref_slice %dma_start3A_11[%add3A_4] : memref<16384xi32, #tpu.memory_space<hbm>> -> memref<128xi32, #tpu.memory_space<hbm>>
    %dma_start3A_13 = tpu.memref_slice %arg10[%dma_start3A_5, %dma_start3A_6] : memref<2x4x!tpu.dma_semaphore, #tpu.memory_space<semaphore_mem>> -> memref<1x1x!tpu.dma_semaphore, #tpu.memory_space<semaphore_mem>>
    %dma_start3A_14 = tpu.memref_squeeze %dma_start3A_13 : memref<1x1x!tpu.dma_semaphore, #tpu.memory_space<semaphore_mem>> -> memref<!tpu.dma_semaphore, #tpu.memory_space<semaphore_mem>>
    %dma_start3A_15 = arith.constant 0 : i32
    %dma_start3A_16 = tpu.memref_slice %arg5[%dma_start3A_15] : memref<512xi32, #tpu.memory_space<vmem>> -> memref<128xi32, #tpu.memory_space<vmem>>
    %dma_start3A_17 = arith.constant 0 : i32
    %dma_start3A_18 = tpu.memref_slice %arg2[%dma_start3A, %dma_start3A_17] : memref<2x16384xi32, #tpu.memory_space<hbm>> -> memref<1x16384xi32, #tpu.memory_space<hbm>>
    %dma_start3A_19 = tpu.memref_squeeze %dma_start3A_18 : memref<1x16384xi32, #tpu.memory_space<hbm>> -> memref<16384xi32, #tpu.memory_space<hbm>>
    %dma_start3A_20 = tpu.memref_slice %dma_start3A_19[%add3A_4] : memref<16384xi32, #tpu.memory_space<hbm>> -> memref<128xi32, #tpu.memory_space<hbm>>
    tpu.enqueue_dma source(%dma_start3A_20 : memref<128xi32, #tpu.memory_space<hbm>>) target(%dma_start3A_16 : memref<128xi32, #tpu.memory_space<vmem>>) target_semaphore(%dma_start3A_14 : memref<!tpu.dma_semaphore, #tpu.memory_space<semaphore_mem>>)
    %add3A_21 = arith.constant 128 : i32
    %add3A_22 = arith.addi %mul3A_2, %add3A_21 : i32
    %dma_start3A_23 = arith.constant 0 : i32
    %dma_start3A_24 = arith.constant 0 : i32
    %dma_start3A_25 = arith.constant 1 : i32
    %dma_start3A_26 = arith.constant 128 : i32
    %dma_start3A_27 = tpu.memref_slice %arg5[%dma_start3A_26] : memref<512xi32, #tpu.memory_space<vmem>> -> memref<128xi32, #tpu.memory_space<vmem>>
    %dma_start3A_28 = arith.constant 0 : i32
    %dma_start3A_29 = tpu.memref_slice %arg2[%dma_start3A_23, %dma_start3A_28] : memref<2x16384xi32, #tpu.memory_space<hbm>> -> memref<1x16384xi32, #tpu.memory_space<hbm>>
    %dma_start3A_30 = tpu.memref_squeeze %dma_start3A_29 : memref<1x16384xi32, #tpu.memory_space<hbm>> -> memref<16384xi32, #tpu.memory_space<hbm>>
    %dma_start3A_31 = tpu.memref_slice %dma_start3A_30[%add3A_22] : memref<16384xi32, #tpu.memory_space<hbm>> -> memref<128xi32, #tpu.memory_space<hbm>>
    %dma_start3A_32 = tpu.memref_slice %arg10[%dma_start3A_24, %dma_start3A_25] : memref<2x4x!tpu.dma_semaphore, #tpu.memory_space<semaphore_mem>> -> memref<1x1x!tpu.dma_semaphore, #tpu.memory_space<semaphore_mem>>
    %dma_start3A_33 = tpu.memref_squeeze %dma_start3A_32 : memref<1x1x!tpu.dma_semaphore, #tpu.memory_space<semaphore_mem>> -> memref<!tpu.dma_semaphore, #tpu.memory_space<semaphore_mem>>
    %dma_start3A_34 = arith.constant 128 : i32
    %dma_start3A_35 = tpu.memref_slice %arg5[%dma_start3A_34] : memref<512xi32, #tpu.memory_space<vmem>> -> memref<128xi32, #tpu.memory_space<vmem>>
    %dma_start3A_36 = arith.constant 0 : i32
    %dma_start3A_37 = tpu.memref_slice %arg2[%dma_start3A_23, %dma_start3A_36] : memref<2x16384xi32, #tpu.memory_space<hbm>> -> memref<1x16384xi32, #tpu.memory_space<hbm>>
    %dma_start3A_38 = tpu.memref_squeeze %dma_start3A_37 : memref<1x16384xi32, #tpu.memory_space<hbm>> -> memref<16384xi32, #tpu.memory_space<hbm>>
    %dma_start3A_39 = tpu.memref_slice %dma_start3A_38[%add3A_22] : memref<16384xi32, #tpu.memory_space<hbm>> -> memref<128xi32, #tpu.memory_space<hbm>>
    tpu.enqueue_dma source(%dma_start3A_39 : memref<128xi32, #tpu.memory_space<hbm>>) target(%dma_start3A_35 : memref<128xi32, #tpu.memory_space<vmem>>) target_semaphore(%dma_start3A_33 : memref<!tpu.dma_semaphore, #tpu.memory_space<semaphore_mem>>)
    %add3A_40 = arith.constant 256 : i32
    %add3A_41 = arith.addi %mul3A_2, %add3A_40 : i32
    %dma_start3A_42 = arith.constant 0 : i32
    %dma_start3A_43 = arith.constant 0 : i32
    %dma_start3A_44 = arith.constant 2 : i32
    %dma_start3A_45 = arith.constant 256 : i32
    %dma_start3A_46 = tpu.memref_slice %arg5[%dma_start3A_45] : memref<512xi32, #tpu.memory_space<vmem>> -> memref<128xi32, #tpu.memory_space<vmem>>
    %dma_start3A_47 = arith.constant 0 : i32
    %dma_start3A_48 = tpu.memref_slice %arg2[%dma_start3A_42, %dma_start3A_47] : memref<2x16384xi32, #tpu.memory_space<hbm>> -> memref<1x16384xi32, #tpu.memory_space<hbm>>
    %dma_start3A_49 = tpu.memref_squeeze %dma_start3A_48 : memref<1x16384xi32, #tpu.memory_space<hbm>> -> memref<16384xi32, #tpu.memory_space<hbm>>
    %dma_start3A_50 = tpu.memref_slice %dma_start3A_49[%add3A_41] : memref<16384xi32, #tpu.memory_space<hbm>> -> memref<128xi32, #tpu.memory_space<hbm>>
    %dma_start3A_51 = tpu.memref_slice %arg10[%dma_start3A_43, %dma_start3A_44] : memref<2x4x!tpu.dma_semaphore, #tpu.memory_space<semaphore_mem>> -> memref<1x1x!tpu.dma_semaphore, #tpu.memory_space<semaphore_mem>>
    %dma_start3A_52 = tpu.memref_squeeze %dma_start3A_51 : memref<1x1x!tpu.dma_semaphore, #tpu.memory_space<semaphore_mem>> -> memref<!tpu.dma_semaphore, #tpu.memory_space<semaphore_mem>>
    %dma_start3A_53 = arith.constant 256 : i32
    %dma_start3A_54 = tpu.memref_slice %arg5[%dma_start3A_53] : memref<512xi32, #tpu.memory_space<vmem>> -> memref<128xi32, #tpu.memory_space<vmem>>
    %dma_start3A_55 = arith.constant 0 : i32
    %dma_start3A_56 = tpu.memref_slice %arg2[%dma_start3A_42, %dma_start3A_55] : memref<2x16384xi32, #tpu.memory_space<hbm>> -> memref<1x16384xi32, #tpu.memory_space<hbm>>
    %dma_start3A_57 = tpu.memref_squeeze %dma_start3A_56 : memref<1x16384xi32, #tpu.memory_space<hbm>> -> memref<16384xi32, #tpu.memory_space<hbm>>
    %dma_start3A_58 = tpu.memref_slice %dma_start3A_57[%add3A_41] : memref<16384xi32, #tpu.memory_space<hbm>> -> memref<128xi32, #tpu.memory_space<hbm>>
    tpu.enqueue_dma source(%dma_start3A_58 : memref<128xi32, #tpu.memory_space<hbm>>) target(%dma_start3A_54 : memref<128xi32, #tpu.memory_space<vmem>>) target_semaphore(%dma_start3A_52 : memref<!tpu.dma_semaphore, #tpu.memory_space<semaphore_mem>>)
    %add3A_59 = arith.constant 384 : i32
    %add3A_60 = arith.addi %mul3A_2, %add3A_59 : i32
    %dma_start3A_61 = arith.constant 0 : i32
    %dma_start3A_62 = arith.constant 0 : i32
    %dma_start3A_63 = arith.constant 3 : i32
    %dma_start3A_64 = arith.constant 384 : i32
    %dma_start3A_65 = tpu.memref_slice %arg5[%dma_start3A_64] : memref<512xi32, #tpu.memory_space<vmem>> -> memref<128xi32, #tpu.memory_space<vmem>>
    %dma_start3A_66 = arith.constant 0 : i32
    %dma_start3A_67 = tpu.memref_slice %arg2[%dma_start3A_61, %dma_start3A_66] : memref<2x16384xi32, #tpu.memory_space<hbm>> -> memref<1x16384xi32, #tpu.memory_space<hbm>>
    %dma_start3A_68 = tpu.memref_squeeze %dma_start3A_67 : memref<1x16384xi32, #tpu.memory_space<hbm>> -> memref<16384xi32, #tpu.memory_space<hbm>>
    %dma_start3A_69 = tpu.memref_slice %dma_start3A_68[%add3A_60] : memref<16384xi32, #tpu.memory_space<hbm>> -> memref<128xi32, #tpu.memory_space<hbm>>
    %dma_start3A_70 = tpu.memref_slice %arg10[%dma_start3A_62, %dma_start3A_63] : memref<2x4x!tpu.dma_semaphore, #tpu.memory_space<semaphore_mem>> -> memref<1x1x!tpu.dma_semaphore, #tpu.memory_space<semaphore_mem>>
    %dma_start3A_71 = tpu.memref_squeeze %dma_start3A_70 : memref<1x1x!tpu.dma_semaphore, #tpu.memory_space<semaphore_mem>> -> memref<!tpu.dma_semaphore, #tpu.memory_space<semaphore_mem>>
    %dma_start3A_72 = arith.constant 384 : i32
    %dma_start3A_73 = tpu.memref_slice %arg5[%dma_start3A_72] : memref<512xi32, #tpu.memory_space<vmem>> -> memref<128xi32, #tpu.memory_space<vmem>>
    %dma_start3A_74 = arith.constant 0 : i32
    %dma_start3A_75 = tpu.memref_slice %arg2[%dma_start3A_61, %dma_start3A_74] : memref<2x16384xi32, #tpu.memory_space<hbm>> -> memref<1x16384xi32, #tpu.memory_space<hbm>>
    %dma_start3A_76 = tpu.memref_squeeze %dma_start3A_75 : memref<1x16384xi32, #tpu.memory_space<hbm>> -> memref<16384xi32, #tpu.memory_space<hbm>>
    %dma_start3A_77 = tpu.memref_slice %dma_start3A_76[%add3A_60] : memref<16384xi32, #tpu.memory_space<hbm>> -> memref<128xi32, #tpu.memory_space<hbm>>
    tpu.enqueue_dma source(%dma_start3A_77 : memref<128xi32, #tpu.memory_space<hbm>>) target(%dma_start3A_73 : memref<128xi32, #tpu.memory_space<vmem>>) target_semaphore(%dma_start3A_71 : memref<!tpu.dma_semaphore, #tpu.memory_space<semaphore_mem>>)
    %add3A_78 = arith.constant 0 : i32
    %add3A_79 = arith.addi %mul3A_2, %add3A_78 : i32
    %dma_start3A_80 = arith.constant 1 : i32
    %dma_start3A_81 = arith.constant 1 : i32
    %dma_start3A_82 = arith.constant 0 : i32
    %dma_start3A_83 = arith.constant 0 : i32
    %dma_start3A_84 = tpu.memref_slice %arg6[%dma_start3A_83] : memref<512xi32, #tpu.memory_space<vmem>> -> memref<128xi32, #tpu.memory_space<vmem>>
    %dma_start3A_85 = arith.constant 0 : i32
    %dma_start3A_86 = tpu.memref_slice %arg2[%dma_start3A_80, %dma_start3A_85] : memref<2x16384xi32, #tpu.memory_space<hbm>> -> memref<1x16384xi32, #tpu.memory_space<hbm>>
    %dma_start3A_87 = tpu.memref_squeeze %dma_start3A_86 : memref<1x16384xi32, #tpu.memory_space<hbm>> -> memref<16384xi32, #tpu.memory_space<hbm>>
    %dma_start3A_88 = tpu.memref_slice %dma_start3A_87[%add3A_79] : memref<16384xi32, #tpu.memory_space<hbm>> -> memref<128xi32, #tpu.memory_space<hbm>>
    %dma_start3A_89 = tpu.memref_slice %arg10[%dma_start3A_81, %dma_start3A_82] : memref<2x4x!tpu.dma_semaphore, #tpu.memory_space<semaphore_mem>> -> memref<1x1x!tpu.dma_semaphore, #tpu.memory_space<semaphore_mem>>
    %dma_start3A_90 = tpu.memref_squeeze %dma_start3A_89 : memref<1x1x!tpu.dma_semaphore, #tpu.memory_space<semaphore_mem>> -> memref<!tpu.dma_semaphore, #tpu.memory_space<semaphore_mem>>
    %dma_start3A_91 = arith.constant 0 : i32
    %dma_start3A_92 = tpu.memref_slice %arg6[%dma_start3A_91] : memref<512xi32, #tpu.memory_space<vmem>> -> memref<128xi32, #tpu.memory_space<vmem>>
    %dma_start3A_93 = arith.constant 0 : i32
    %dma_start3A_94 = tpu.memref_slice %arg2[%dma_start3A_80, %dma_start3A_93] : memref<2x16384xi32, #tpu.memory_space<hbm>> -> memref<1x16384xi32, #tpu.memory_space<hbm>>
    %dma_start3A_95 = tpu.memref_squeeze %dma_start3A_94 : memref<1x16384xi32, #tpu.memory_space<hbm>> -> memref<16384xi32, #tpu.memory_space<hbm>>
    %dma_start3A_96 = tpu.memref_slice %dma_start3A_95[%add3A_79] : memref<16384xi32, #tpu.memory_space<hbm>> -> memref<128xi32, #tpu.memory_space<hbm>>
    tpu.enqueue_dma source(%dma_start3A_96 : memref<128xi32, #tpu.memory_space<hbm>>) target(%dma_start3A_92 : memref<128xi32, #tpu.memory_space<vmem>>) target_semaphore(%dma_start3A_90 : memref<!tpu.dma_semaphore, #tpu.memory_space<semaphore_mem>>)
    %add3A_97 = arith.constant 128 : i32
    %add3A_98 = arith.addi %mul3A_2, %add3A_97 : i32
    %dma_start3A_99 = arith.constant 1 : i32
    %dma_start3A_100 = arith.constant 1 : i32
    %dma_start3A_101 = arith.constant 1 : i32
    %dma_start3A_102 = arith.constant 128 : i32
    %dma_start3A_103 = tpu.memref_slice %arg6[%dma_start3A_102] : memref<512xi32, #tpu.memory_space<vmem>> -> memref<128xi32, #tpu.memory_space<vmem>>
    %dma_start3A_104 = arith.constant 0 : i32
    %dma_start3A_105 = tpu.memref_slice %arg2[%dma_start3A_99, %dma_start3A_104] : memref<2x16384xi32, #tpu.memory_space<hbm>> -> memref<1x16384xi32, #tpu.memory_space<hbm>>
    %dma_start3A_106 = tpu.memref_squeeze %dma_start3A_105 : memref<1x16384xi32, #tpu.memory_space<hbm>> -> memref<16384xi32, #tpu.memory_space<hbm>>
    %dma_start3A_107 = tpu.memref_slice %dma_start3A_106[%add3A_98] : memref<16384xi32, #tpu.memory_space<hbm>> -> memref<128xi32, #tpu.memory_space<hbm>>
    %dma_start3A_108 = tpu.memref_slice %arg10[%dma_start3A_100, %dma_start3A_101] : memref<2x4x!tpu.dma_semaphore, #tpu.memory_space<semaphore_mem>> -> memref<1x1x!tpu.dma_semaphore, #tpu.memory_space<semaphore_mem>>
    %dma_start3A_109 = tpu.memref_squeeze %dma_start3A_108 : memref<1x1x!tpu.dma_semaphore, #tpu.memory_space<semaphore_mem>> -> memref<!tpu.dma_semaphore, #tpu.memory_space<semaphore_mem>>
    %dma_start3A_110 = arith.constant 128 : i32
    %dma_start3A_111 = tpu.memref_slice %arg6[%dma_start3A_110] : memref<512xi32, #tpu.memory_space<vmem>> -> memref<128xi32, #tpu.memory_space<vmem>>
    %dma_start3A_112 = arith.constant 0 : i32
    %dma_start3A_113 = tpu.memref_slice %arg2[%dma_start3A_99, %dma_start3A_112] : memref<2x16384xi32, #tpu.memory_space<hbm>> -> memref<1x16384xi32, #tpu.memory_space<hbm>>
    %dma_start3A_114 = tpu.memref_squeeze %dma_start3A_113 : memref<1x16384xi32, #tpu.memory_space<hbm>> -> memref<16384xi32, #tpu.memory_space<hbm>>
    %dma_start3A_115 = tpu.memref_slice %dma_start3A_114[%add3A_98] : memref<16384xi32, #tpu.memory_space<hbm>> -> memref<128xi32, #tpu.memory_space<hbm>>
    tpu.enqueue_dma source(%dma_start3A_115 : memref<128xi32, #tpu.memory_space<hbm>>) target(%dma_start3A_111 : memref<128xi32, #tpu.memory_space<vmem>>) target_semaphore(%dma_start3A_109 : memref<!tpu.dma_semaphore, #tpu.memory_space<semaphore_mem>>)
    %add3A_116 = arith.constant 256 : i32
    %add3A_117 = arith.addi %mul3A_2, %add3A_116 : i32
    %dma_start3A_118 = arith.constant 1 : i32
    %dma_start3A_119 = arith.constant 1 : i32
    %dma_start3A_120 = arith.constant 2 : i32
    %dma_start3A_121 = arith.constant 256 : i32
    %dma_start3A_122 = tpu.memref_slice %arg6[%dma_start3A_121] : memref<512xi32, #tpu.memory_space<vmem>> -> memref<128xi32, #tpu.memory_space<vmem>>
    %dma_start3A_123 = arith.constant 0 : i32
    %dma_start3A_124 = tpu.memref_slice %arg2[%dma_start3A_118, %dma_start3A_123] : memref<2x16384xi32, #tpu.memory_space<hbm>> -> memref<1x16384xi32, #tpu.memory_space<hbm>>
    %dma_start3A_125 = tpu.memref_squeeze %dma_start3A_124 : memref<1x16384xi32, #tpu.memory_space<hbm>> -> memref<16384xi32, #tpu.memory_space<hbm>>
    %dma_start3A_126 = tpu.memref_slice %dma_start3A_125[%add3A_117] : memref<16384xi32, #tpu.memory_space<hbm>> -> memref<128xi32, #tpu.memory_space<hbm>>
    %dma_start3A_127 = tpu.memref_slice %arg10[%dma_start3A_119, %dma_start3A_120] : memref<2x4x!tpu.dma_semaphore, #tpu.memory_space<semaphore_mem>> -> memref<1x1x!tpu.dma_semaphore, #tpu.memory_space<semaphore_mem>>
    %dma_start3A_128 = tpu.memref_squeeze %dma_start3A_127 : memref<1x1x!tpu.dma_semaphore, #tpu.memory_space<semaphore_mem>> -> memref<!tpu.dma_semaphore, #tpu.memory_space<semaphore_mem>>
    %dma_start3A_129 = arith.constant 256 : i32
    %dma_start3A_130 = tpu.memref_slice %arg6[%dma_start3A_129] : memref<512xi32, #tpu.memory_space<vmem>> -> memref<128xi32, #tpu.memory_space<vmem>>
    %dma_start3A_131 = arith.constant 0 : i32
    %dma_start3A_132 = tpu.memref_slice %arg2[%dma_start3A_118, %dma_start3A_131] : memref<2x16384xi32, #tpu.memory_space<hbm>> -> memref<1x16384xi32, #tpu.memory_space<hbm>>
    %dma_start3A_133 = tpu.memref_squeeze %dma_start3A_132 : memref<1x16384xi32, #tpu.memory_space<hbm>> -> memref<16384xi32, #tpu.memory_space<hbm>>
    %dma_start3A_134 = tpu.memref_slice %dma_start3A_133[%add3A_117] : memref<16384xi32, #tpu.memory_space<hbm>> -> memref<128xi32, #tpu.memory_space<hbm>>
    tpu.enqueue_dma source(%dma_start3A_134 : memref<128xi32, #tpu.memory_space<hbm>>) target(%dma_start3A_130 : memref<128xi32, #tpu.memory_space<vmem>>) target_semaphore(%dma_start3A_128 : memref<!tpu.dma_semaphore, #tpu.memory_space<semaphore_mem>>)
    %add3A_135 = arith.constant 384 : i32
    %add3A_136 = arith.addi %mul3A_2, %add3A_135 : i32
    %dma_start3A_137 = arith.constant 1 : i32
    %dma_start3A_138 = arith.constant 1 : i32
    %dma_start3A_139 = arith.constant 3 : i32
    %dma_start3A_140 = arith.constant 384 : i32
    %dma_start3A_141 = tpu.memref_slice %arg6[%dma_start3A_140] : memref<512xi32, #tpu.memory_space<vmem>> -> memref<128xi32, #tpu.memory_space<vmem>>
    %dma_start3A_142 = arith.constant 0 : i32
    %dma_start3A_143 = tpu.memref_slice %arg2[%dma_start3A_137, %dma_start3A_142] : memref<2x16384xi32, #tpu.memory_space<hbm>> -> memref<1x16384xi32, #tpu.memory_space<hbm>>
    %dma_start3A_144 = tpu.memref_squeeze %dma_start3A_143 : memref<1x16384xi32, #tpu.memory_space<hbm>> -> memref<16384xi32, #tpu.memory_space<hbm>>
    %dma_start3A_145 = tpu.memref_slice %dma_start3A_144[%add3A_136] : memref<16384xi32, #tpu.memory_space<hbm>> -> memref<128xi32, #tpu.memory_space<hbm>>
    %dma_start3A_146 = tpu.memref_slice %arg10[%dma_start3A_138, %dma_start3A_139] : memref<2x4x!tpu.dma_semaphore, #tpu.memory_space<semaphore_mem>> -> memref<1x1x!tpu.dma_semaphore, #tpu.memory_space<semaphore_mem>>
    %dma_start3A_147 = tpu.memref_squeeze %dma_start3A_146 : memref<1x1x!tpu.dma_semaphore, #tpu.memory_space<semaphore_mem>> -> memref<!tpu.dma_semaphore, #tpu.memory_space<semaphore_mem>>
    %dma_start3A_148 = arith.constant 384 : i32
    %dma_start3A_149 = tpu.memref_slice %arg6[%dma_start3A_148] : memref<512xi32, #tpu.memory_space<vmem>> -> memref<128xi32, #tpu.memory_space<vmem>>
    %dma_start3A_150 = arith.constant 0 : i32
    %dma_start3A_151 = tpu.memref_slice %arg2[%dma_start3A_137, %dma_start3A_150] : memref<2x16384xi32, #tpu.memory_space<hbm>> -> memref<1x16384xi32, #tpu.memory_space<hbm>>
    %dma_start3A_152 = tpu.memref_squeeze %dma_start3A_151 : memref<1x16384xi32, #tpu.memory_space<hbm>> -> memref<16384xi32, #tpu.memory_space<hbm>>
    %dma_start3A_153 = tpu.memref_slice %dma_start3A_152[%add3A_136] : memref<16384xi32, #tpu.memory_space<hbm>> -> memref<128xi32, #tpu.memory_space<hbm>>
    tpu.enqueue_dma source(%dma_start3A_153 : memref<128xi32, #tpu.memory_space<hbm>>) target(%dma_start3A_149 : memref<128xi32, #tpu.memory_space<vmem>>) target_semaphore(%dma_start3A_147 : memref<!tpu.dma_semaphore, #tpu.memory_space<semaphore_mem>>)
    %dma_wait3A = arith.constant 0 : i32
    %dma_wait3A_154 = arith.constant 0 : i32
    %dma_wait3A_155 = arith.constant 0 : i32
    %dma_wait3A_156 = arith.constant 0 : i32
    %dma_wait3A_157 = tpu.memref_slice %arg5[%dma_wait3A_156] : memref<512xi32, #tpu.memory_space<vmem>> -> memref<128xi32, #tpu.memory_space<vmem>>
    %dma_wait3A_158 = arith.constant 0 : i32
    %dma_wait3A_159 = tpu.memref_slice %arg2[%dma_wait3A, %dma_wait3A_158] : memref<2x16384xi32, #tpu.memory_space<hbm>> -> memref<1x16384xi32, #tpu.memory_space<hbm>>
    %dma_wait3A_160 = tpu.memref_squeeze %dma_wait3A_159 : memref<1x16384xi32, #tpu.memory_space<hbm>> -> memref<16384xi32, #tpu.memory_space<hbm>>
    %dma_wait3A_161 = tpu.memref_slice %dma_wait3A_160[%add3A_4] : memref<16384xi32, #tpu.memory_space<hbm>> -> memref<128xi32, #tpu.memory_space<hbm>>
    %dma_wait3A_162 = tpu.memref_slice %arg10[%dma_wait3A_154, %dma_wait3A_155] : memref<2x4x!tpu.dma_semaphore, #tpu.memory_space<semaphore_mem>> -> memref<1x1x!tpu.dma_semaphore, #tpu.memory_space<semaphore_mem>>
    %dma_wait3A_163 = tpu.memref_squeeze %dma_wait3A_162 : memref<1x1x!tpu.dma_semaphore, #tpu.memory_space<semaphore_mem>> -> memref<!tpu.dma_semaphore, #tpu.memory_space<semaphore_mem>>
    %dma_wait3A_164 = arith.constant 0 : i32
    %dma_wait3A_165 = tpu.memref_slice %arg5[%dma_wait3A_164] : memref<512xi32, #tpu.memory_space<vmem>> -> memref<128xi32, #tpu.memory_space<vmem>>
    %dma_wait3A_166 = arith.constant 0 : i32
    %dma_wait3A_167 = tpu.memref_slice %arg2[%dma_wait3A, %dma_wait3A_166] : memref<2x16384xi32, #tpu.memory_space<hbm>> -> memref<1x16384xi32, #tpu.memory_space<hbm>>
    %dma_wait3A_168 = tpu.memref_squeeze %dma_wait3A_167 : memref<1x16384xi32, #tpu.memory_space<hbm>> -> memref<16384xi32, #tpu.memory_space<hbm>>
    %dma_wait3A_169 = tpu.memref_slice %dma_wait3A_168[%add3A_4] : memref<16384xi32, #tpu.memory_space<hbm>> -> memref<128xi32, #tpu.memory_space<hbm>>
    tpu.wait_dma2 semaphore(%dma_wait3A_163 : memref<!tpu.dma_semaphore, #tpu.memory_space<semaphore_mem>>) src(%dma_wait3A_169 : memref<128xi32, #tpu.memory_space<hbm>>) dst(%dma_wait3A_165 : memref<128xi32, #tpu.memory_space<vmem>>)
    %dma_start3A_170 = arith.constant 0 : i32
    %dma_start3A_171 = arith.constant 0 : i32
    %dma_start3A_172 = arith.constant 0 : i32
    %dma_start3A_173 = tpu.memref_slice %arg7[%dma_start3A_172] : memref<512xf32, #tpu.memory_space<vmem>> -> memref<128xf32, #tpu.memory_space<vmem>>
    %dma_start3A_174 = arith.constant 0 : i32
    %dma_start3A_175 = tpu.memref_slice %arg5[%dma_start3A_174] : memref<512xi32, #tpu.memory_space<vmem>> -> memref<128xi32, #tpu.memory_space<vmem>>
    %dma_start3A_176 = arith.constant 0 : i32
    %dma_start3A_177 = tpu.memref_slice %arg3[%dma_start3A_176] : memref<1000000xf32, #tpu.memory_space<hbm>> -> memref<1000000xf32, #tpu.memory_space<hbm>>
    %dma_start3A_178 = tpu.memref_slice %arg11[%dma_start3A_170, %dma_start3A_171] : memref<2x4x!tpu.dma_semaphore, #tpu.memory_space<semaphore_mem>> -> memref<1x1x!tpu.dma_semaphore, #tpu.memory_space<semaphore_mem>>
    %dma_start3A_179 = tpu.memref_squeeze %dma_start3A_178 : memref<1x1x!tpu.dma_semaphore, #tpu.memory_space<semaphore_mem>> -> memref<!tpu.dma_semaphore, #tpu.memory_space<semaphore_mem>>
    tpu.enqueue_indirect_dma source(%dma_start3A_177 : memref<1000000xf32, #tpu.memory_space<hbm>>) target(%dma_start3A_173 : memref<128xf32, #tpu.memory_space<vmem>>) offsets(%dma_start3A_175 : memref<128xi32, #tpu.memory_space<vmem>>) semaphore(%dma_start3A_179 : memref<!tpu.dma_semaphore, #tpu.memory_space<semaphore_mem>>)
    %dma_wait3A_180 = arith.constant 1 : i32
    %dma_wait3A_181 = arith.constant 1 : i32
    %dma_wait3A_182 = arith.constant 0 : i32
    %dma_wait3A_183 = arith.constant 0 : i32
    %dma_wait3A_184 = tpu.memref_slice %arg6[%dma_wait3A_183] : memref<512xi32, #tpu.memory_space<vmem>> -> memref<128xi32, #tpu.memory_space<vmem>>
    %dma_wait3A_185 = arith.constant 0 : i32
    %dma_wait3A_186 = tpu.memref_slice %arg2[%dma_wait3A_180, %dma_wait3A_185] : memref<2x16384xi32, #tpu.memory_space<hbm>> -> memref<1x16384xi32, #tpu.memory_space<hbm>>
    %dma_wait3A_187 = tpu.memref_squeeze %dma_wait3A_186 : memref<1x16384xi32, #tpu.memory_space<hbm>> -> memref<16384xi32, #tpu.memory_space<hbm>>
    %dma_wait3A_188 = tpu.memref_slice %dma_wait3A_187[%add3A_79] : memref<16384xi32, #tpu.memory_space<hbm>> -> memref<128xi32, #tpu.memory_space<hbm>>
    %dma_wait3A_189 = tpu.memref_slice %arg10[%dma_wait3A_181, %dma_wait3A_182] : memref<2x4x!tpu.dma_semaphore, #tpu.memory_space<semaphore_mem>> -> memref<1x1x!tpu.dma_semaphore, #tpu.memory_space<semaphore_mem>>
    %dma_wait3A_190 = tpu.memref_squeeze %dma_wait3A_189 : memref<1x1x!tpu.dma_semaphore, #tpu.memory_space<semaphore_mem>> -> memref<!tpu.dma_semaphore, #tpu.memory_space<semaphore_mem>>
    %dma_wait3A_191 = arith.constant 0 : i32
    %dma_wait3A_192 = tpu.memref_slice %arg6[%dma_wait3A_191] : memref<512xi32, #tpu.memory_space<vmem>> -> memref<128xi32, #tpu.memory_space<vmem>>
    %dma_wait3A_193 = arith.constant 0 : i32
    %dma_wait3A_194 = tpu.memref_slice %arg2[%dma_wait3A_180, %dma_wait3A_193] : memref<2x16384xi32, #tpu.memory_space<hbm>> -> memref<1x16384xi32, #tpu.memory_space<hbm>>
    %dma_wait3A_195 = tpu.memref_squeeze %dma_wait3A_194 : memref<1x16384xi32, #tpu.memory_space<hbm>> -> memref<16384xi32, #tpu.memory_space<hbm>>
    %dma_wait3A_196 = tpu.memref_slice %dma_wait3A_195[%add3A_79] : memref<16384xi32, #tpu.memory_space<hbm>> -> memref<128xi32, #tpu.memory_space<hbm>>
    tpu.wait_dma2 semaphore(%dma_wait3A_190 : memref<!tpu.dma_semaphore, #tpu.memory_space<semaphore_mem>>) src(%dma_wait3A_196 : memref<128xi32, #tpu.memory_space<hbm>>) dst(%dma_wait3A_192 : memref<128xi32, #tpu.memory_space<vmem>>)
    %dma_start3A_197 = arith.constant 1 : i32
    %dma_start3A_198 = arith.constant 0 : i32
    %dma_start3A_199 = arith.constant 0 : i32
    %dma_start3A_200 = tpu.memref_slice %arg8[%dma_start3A_199] : memref<512xf32, #tpu.memory_space<vmem>> -> memref<128xf32, #tpu.memory_space<vmem>>
    %dma_start3A_201 = arith.constant 0 : i32
    %dma_start3A_202 = tpu.memref_slice %arg6[%dma_start3A_201] : memref<512xi32, #tpu.memory_space<vmem>> -> memref<128xi32, #tpu.memory_space<vmem>>
    %dma_start3A_203 = arith.constant 0 : i32
    %dma_start3A_204 = tpu.memref_slice %arg3[%dma_start3A_203] : memref<1000000xf32, #tpu.memory_space<hbm>> -> memref<1000000xf32, #tpu.memory_space<hbm>>
    %dma_start3A_205 = tpu.memref_slice %arg11[%dma_start3A_197, %dma_start3A_198] : memref<2x4x!tpu.dma_semaphore, #tpu.memory_space<semaphore_mem>> -> memref<1x1x!tpu.dma_semaphore, #tpu.memory_space<semaphore_mem>>
    %dma_start3A_206 = tpu.memref_squeeze %dma_start3A_205 : memref<1x1x!tpu.dma_semaphore, #tpu.memory_space<semaphore_mem>> -> memref<!tpu.dma_semaphore, #tpu.memory_space<semaphore_mem>>
    tpu.enqueue_indirect_dma source(%dma_start3A_204 : memref<1000000xf32, #tpu.memory_space<hbm>>) target(%dma_start3A_200 : memref<128xf32, #tpu.memory_space<vmem>>) offsets(%dma_start3A_202 : memref<128xi32, #tpu.memory_space<vmem>>) semaphore(%dma_start3A_206 : memref<!tpu.dma_semaphore, #tpu.memory_space<semaphore_mem>>)
    %dma_wait3A_207 = arith.constant 0 : i32
    %dma_wait3A_208 = arith.constant 0 : i32
    %dma_wait3A_209 = arith.constant 1 : i32
    %dma_wait3A_210 = arith.constant 128 : i32
    %dma_wait3A_211 = tpu.memref_slice %arg5[%dma_wait3A_210] : memref<512xi32, #tpu.memory_space<vmem>> -> memref<128xi32, #tpu.memory_space<vmem>>
    %dma_wait3A_212 = arith.constant 0 : i32
    %dma_wait3A_213 = tpu.memref_slice %arg2[%dma_wait3A_207, %dma_wait3A_212] : memref<2x16384xi32, #tpu.memory_space<hbm>> -> memref<1x16384xi32, #tpu.memory_space<hbm>>
    %dma_wait3A_214 = tpu.memref_squeeze %dma_wait3A_213 : memref<1x16384xi32, #tpu.memory_space<hbm>> -> memref<16384xi32, #tpu.memory_space<hbm>>
    %dma_wait3A_215 = tpu.memref_slice %dma_wait3A_214[%add3A_22] : memref<16384xi32, #tpu.memory_space<hbm>> -> memref<128xi32, #tpu.memory_space<hbm>>
    %dma_wait3A_216 = tpu.memref_slice %arg10[%dma_wait3A_208, %dma_wait3A_209] : memref<2x4x!tpu.dma_semaphore, #tpu.memory_space<semaphore_mem>> -> memref<1x1x!tpu.dma_semaphore, #tpu.memory_space<semaphore_mem>>
    %dma_wait3A_217 = tpu.memref_squeeze %dma_wait3A_216 : memref<1x1x!tpu.dma_semaphore, #tpu.memory_space<semaphore_mem>> -> memref<!tpu.dma_semaphore, #tpu.memory_space<semaphore_mem>>
    %dma_wait3A_218 = arith.constant 128 : i32
    %dma_wait3A_219 = tpu.memref_slice %arg5[%dma_wait3A_218] : memref<512xi32, #tpu.memory_space<vmem>> -> memref<128xi32, #tpu.memory_space<vmem>>
    %dma_wait3A_220 = arith.constant 0 : i32
    %dma_wait3A_221 = tpu.memref_slice %arg2[%dma_wait3A_207, %dma_wait3A_220] : memref<2x16384xi32, #tpu.memory_space<hbm>> -> memref<1x16384xi32, #tpu.memory_space<hbm>>
    %dma_wait3A_222 = tpu.memref_squeeze %dma_wait3A_221 : memref<1x16384xi32, #tpu.memory_space<hbm>> -> memref<16384xi32, #tpu.memory_space<hbm>>
    %dma_wait3A_223 = tpu.memref_slice %dma_wait3A_222[%add3A_22] : memref<16384xi32, #tpu.memory_space<hbm>> -> memref<128xi32, #tpu.memory_space<hbm>>
    tpu.wait_dma2 semaphore(%dma_wait3A_217 : memref<!tpu.dma_semaphore, #tpu.memory_space<semaphore_mem>>) src(%dma_wait3A_223 : memref<128xi32, #tpu.memory_space<hbm>>) dst(%dma_wait3A_219 : memref<128xi32, #tpu.memory_space<vmem>>)
    %dma_start3A_224 = arith.constant 0 : i32
    %dma_start3A_225 = arith.constant 1 : i32
    %dma_start3A_226 = arith.constant 128 : i32
    %dma_start3A_227 = tpu.memref_slice %arg7[%dma_start3A_226] : memref<512xf32, #tpu.memory_space<vmem>> -> memref<128xf32, #tpu.memory_space<vmem>>
    %dma_start3A_228 = arith.constant 128 : i32
    %dma_start3A_229 = tpu.memref_slice %arg5[%dma_start3A_228] : memref<512xi32, #tpu.memory_space<vmem>> -> memref<128xi32, #tpu.memory_space<vmem>>
    %dma_start3A_230 = arith.constant 0 : i32
    %dma_start3A_231 = tpu.memref_slice %arg3[%dma_start3A_230] : memref<1000000xf32, #tpu.memory_space<hbm>> -> memref<1000000xf32, #tpu.memory_space<hbm>>
    %dma_start3A_232 = tpu.memref_slice %arg11[%dma_start3A_224, %dma_start3A_225] : memref<2x4x!tpu.dma_semaphore, #tpu.memory_space<semaphore_mem>> -> memref<1x1x!tpu.dma_semaphore, #tpu.memory_space<semaphore_mem>>
    %dma_start3A_233 = tpu.memref_squeeze %dma_start3A_232 : memref<1x1x!tpu.dma_semaphore, #tpu.memory_space<semaphore_mem>> -> memref<!tpu.dma_semaphore, #tpu.memory_space<semaphore_mem>>
    tpu.enqueue_indirect_dma source(%dma_start3A_231 : memref<1000000xf32, #tpu.memory_space<hbm>>) target(%dma_start3A_227 : memref<128xf32, #tpu.memory_space<vmem>>) offsets(%dma_start3A_229 : memref<128xi32, #tpu.memory_space<vmem>>) semaphore(%dma_start3A_233 : memref<!tpu.dma_semaphore, #tpu.memory_space<semaphore_mem>>)
    %dma_wait3A_234 = arith.constant 1 : i32
    %dma_wait3A_235 = arith.constant 1 : i32
    %dma_wait3A_236 = arith.constant 1 : i32
    %dma_wait3A_237 = arith.constant 128 : i32
    %dma_wait3A_238 = tpu.memref_slice %arg6[%dma_wait3A_237] : memref<512xi32, #tpu.memory_space<vmem>> -> memref<128xi32, #tpu.memory_space<vmem>>
    %dma_wait3A_239 = arith.constant 0 : i32
    %dma_wait3A_240 = tpu.memref_slice %arg2[%dma_wait3A_234, %dma_wait3A_239] : memref<2x16384xi32, #tpu.memory_space<hbm>> -> memref<1x16384xi32, #tpu.memory_space<hbm>>
    %dma_wait3A_241 = tpu.memref_squeeze %dma_wait3A_240 : memref<1x16384xi32, #tpu.memory_space<hbm>> -> memref<16384xi32, #tpu.memory_space<hbm>>
    %dma_wait3A_242 = tpu.memref_slice %dma_wait3A_241[%add3A_98] : memref<16384xi32, #tpu.memory_space<hbm>> -> memref<128xi32, #tpu.memory_space<hbm>>
    %dma_wait3A_243 = tpu.memref_slice %arg10[%dma_wait3A_235, %dma_wait3A_236] : memref<2x4x!tpu.dma_semaphore, #tpu.memory_space<semaphore_mem>> -> memref<1x1x!tpu.dma_semaphore, #tpu.memory_space<semaphore_mem>>
    %dma_wait3A_244 = tpu.memref_squeeze %dma_wait3A_243 : memref<1x1x!tpu.dma_semaphore, #tpu.memory_space<semaphore_mem>> -> memref<!tpu.dma_semaphore, #tpu.memory_space<semaphore_mem>>
    %dma_wait3A_245 = arith.constant 128 : i32
    %dma_wait3A_246 = tpu.memref_slice %arg6[%dma_wait3A_245] : memref<512xi32, #tpu.memory_space<vmem>> -> memref<128xi32, #tpu.memory_space<vmem>>
    %dma_wait3A_247 = arith.constant 0 : i32
    %dma_wait3A_248 = tpu.memref_slice %arg2[%dma_wait3A_234, %dma_wait3A_247] : memref<2x16384xi32, #tpu.memory_space<hbm>> -> memref<1x16384xi32, #tpu.memory_space<hbm>>
    %dma_wait3A_249 = tpu.memref_squeeze %dma_wait3A_248 : memref<1x16384xi32, #tpu.memory_space<hbm>> -> memref<16384xi32, #tpu.memory_space<hbm>>
    %dma_wait3A_250 = tpu.memref_slice %dma_wait3A_249[%add3A_98] : memref<16384xi32, #tpu.memory_space<hbm>> -> memref<128xi32, #tpu.memory_space<hbm>>
    tpu.wait_dma2 semaphore(%dma_wait3A_244 : memref<!tpu.dma_semaphore, #tpu.memory_space<semaphore_mem>>) src(%dma_wait3A_250 : memref<128xi32, #tpu.memory_space<hbm>>) dst(%dma_wait3A_246 : memref<128xi32, #tpu.memory_space<vmem>>)
    %dma_start3A_251 = arith.constant 1 : i32
    %dma_start3A_252 = arith.constant 1 : i32
    %dma_start3A_253 = arith.constant 128 : i32
    %dma_start3A_254 = tpu.memref_slice %arg8[%dma_start3A_253] : memref<512xf32, #tpu.memory_space<vmem>> -> memref<128xf32, #tpu.memory_space<vmem>>
    %dma_start3A_255 = arith.constant 128 : i32
    %dma_start3A_256 = tpu.memref_slice %arg6[%dma_start3A_255] : memref<512xi32, #tpu.memory_space<vmem>> -> memref<128xi32, #tpu.memory_space<vmem>>
    %dma_start3A_257 = arith.constant 0 : i32
    %dma_start3A_258 = tpu.memref_slice %arg3[%dma_start3A_257] : memref<1000000xf32, #tpu.memory_space<hbm>> -> memref<1000000xf32, #tpu.memory_space<hbm>>
    %dma_start3A_259 = tpu.memref_slice %arg11[%dma_start3A_251, %dma_start3A_252] : memref<2x4x!tpu.dma_semaphore, #tpu.memory_space<semaphore_mem>> -> memref<1x1x!tpu.dma_semaphore, #tpu.memory_space<semaphore_mem>>
    %dma_start3A_260 = tpu.memref_squeeze %dma_start3A_259 : memref<1x1x!tpu.dma_semaphore, #tpu.memory_space<semaphore_mem>> -> memref<!tpu.dma_semaphore, #tpu.memory_space<semaphore_mem>>
    tpu.enqueue_indirect_dma source(%dma_start3A_258 : memref<1000000xf32, #tpu.memory_space<hbm>>) target(%dma_start3A_254 : memref<128xf32, #tpu.memory_space<vmem>>) offsets(%dma_start3A_256 : memref<128xi32, #tpu.memory_space<vmem>>) semaphore(%dma_start3A_260 : memref<!tpu.dma_semaphore, #tpu.memory_space<semaphore_mem>>)
    %dma_wait3A_261 = arith.constant 0 : i32
    %dma_wait3A_262 = arith.constant 0 : i32
    %dma_wait3A_263 = arith.constant 2 : i32
    %dma_wait3A_264 = arith.constant 256 : i32
    %dma_wait3A_265 = tpu.memref_slice %arg5[%dma_wait3A_264] : memref<512xi32, #tpu.memory_space<vmem>> -> memref<128xi32, #tpu.memory_space<vmem>>
    %dma_wait3A_266 = arith.constant 0 : i32
    %dma_wait3A_267 = tpu.memref_slice %arg2[%dma_wait3A_261, %dma_wait3A_266] : memref<2x16384xi32, #tpu.memory_space<hbm>> -> memref<1x16384xi32, #tpu.memory_space<hbm>>
    %dma_wait3A_268 = tpu.memref_squeeze %dma_wait3A_267 : memref<1x16384xi32, #tpu.memory_space<hbm>> -> memref<16384xi32, #tpu.memory_space<hbm>>
    %dma_wait3A_269 = tpu.memref_slice %dma_wait3A_268[%add3A_41] : memref<16384xi32, #tpu.memory_space<hbm>> -> memref<128xi32, #tpu.memory_space<hbm>>
    %dma_wait3A_270 = tpu.memref_slice %arg10[%dma_wait3A_262, %dma_wait3A_263] : memref<2x4x!tpu.dma_semaphore, #tpu.memory_space<semaphore_mem>> -> memref<1x1x!tpu.dma_semaphore, #tpu.memory_space<semaphore_mem>>
    %dma_wait3A_271 = tpu.memref_squeeze %dma_wait3A_270 : memref<1x1x!tpu.dma_semaphore, #tpu.memory_space<semaphore_mem>> -> memref<!tpu.dma_semaphore, #tpu.memory_space<semaphore_mem>>
    %dma_wait3A_272 = arith.constant 256 : i32
    %dma_wait3A_273 = tpu.memref_slice %arg5[%dma_wait3A_272] : memref<512xi32, #tpu.memory_space<vmem>> -> memref<128xi32, #tpu.memory_space<vmem>>
    %dma_wait3A_274 = arith.constant 0 : i32
    %dma_wait3A_275 = tpu.memref_slice %arg2[%dma_wait3A_261, %dma_wait3A_274] : memref<2x16384xi32, #tpu.memory_space<hbm>> -> memref<1x16384xi32, #tpu.memory_space<hbm>>
    %dma_wait3A_276 = tpu.memref_squeeze %dma_wait3A_275 : memref<1x16384xi32, #tpu.memory_space<hbm>> -> memref<16384xi32, #tpu.memory_space<hbm>>
    %dma_wait3A_277 = tpu.memref_slice %dma_wait3A_276[%add3A_41] : memref<16384xi32, #tpu.memory_space<hbm>> -> memref<128xi32, #tpu.memory_space<hbm>>
    tpu.wait_dma2 semaphore(%dma_wait3A_271 : memref<!tpu.dma_semaphore, #tpu.memory_space<semaphore_mem>>) src(%dma_wait3A_277 : memref<128xi32, #tpu.memory_space<hbm>>) dst(%dma_wait3A_273 : memref<128xi32, #tpu.memory_space<vmem>>)
    %dma_start3A_278 = arith.constant 0 : i32
    %dma_start3A_279 = arith.constant 2 : i32
    %dma_start3A_280 = arith.constant 256 : i32
    %dma_start3A_281 = tpu.memref_slice %arg7[%dma_start3A_280] : memref<512xf32, #tpu.memory_space<vmem>> -> memref<128xf32, #tpu.memory_space<vmem>>
    %dma_start3A_282 = arith.constant 256 : i32
    %dma_start3A_283 = tpu.memref_slice %arg5[%dma_start3A_282] : memref<512xi32, #tpu.memory_space<vmem>> -> memref<128xi32, #tpu.memory_space<vmem>>
    %dma_start3A_284 = arith.constant 0 : i32
    %dma_start3A_285 = tpu.memref_slice %arg3[%dma_start3A_284] : memref<1000000xf32, #tpu.memory_space<hbm>> -> memref<1000000xf32, #tpu.memory_space<hbm>>
    %dma_start3A_286 = tpu.memref_slice %arg11[%dma_start3A_278, %dma_start3A_279] : memref<2x4x!tpu.dma_semaphore, #tpu.memory_space<semaphore_mem>> -> memref<1x1x!tpu.dma_semaphore, #tpu.memory_space<semaphore_mem>>
    %dma_start3A_287 = tpu.memref_squeeze %dma_start3A_286 : memref<1x1x!tpu.dma_semaphore, #tpu.memory_space<semaphore_mem>> -> memref<!tpu.dma_semaphore, #tpu.memory_space<semaphore_mem>>
    tpu.enqueue_indirect_dma source(%dma_start3A_285 : memref<1000000xf32, #tpu.memory_space<hbm>>) target(%dma_start3A_281 : memref<128xf32, #tpu.memory_space<vmem>>) offsets(%dma_start3A_283 : memref<128xi32, #tpu.memory_space<vmem>>) semaphore(%dma_start3A_287 : memref<!tpu.dma_semaphore, #tpu.memory_space<semaphore_mem>>)
    %dma_wait3A_288 = arith.constant 1 : i32
    %dma_wait3A_289 = arith.constant 1 : i32
    %dma_wait3A_290 = arith.constant 2 : i32
    %dma_wait3A_291 = arith.constant 256 : i32
    %dma_wait3A_292 = tpu.memref_slice %arg6[%dma_wait3A_291] : memref<512xi32, #tpu.memory_space<vmem>> -> memref<128xi32, #tpu.memory_space<vmem>>
    %dma_wait3A_293 = arith.constant 0 : i32
    %dma_wait3A_294 = tpu.memref_slice %arg2[%dma_wait3A_288, %dma_wait3A_293] : memref<2x16384xi32, #tpu.memory_space<hbm>> -> memref<1x16384xi32, #tpu.memory_space<hbm>>
    %dma_wait3A_295 = tpu.memref_squeeze %dma_wait3A_294 : memref<1x16384xi32, #tpu.memory_space<hbm>> -> memref<16384xi32, #tpu.memory_space<hbm>>
    %dma_wait3A_296 = tpu.memref_slice %dma_wait3A_295[%add3A_117] : memref<16384xi32, #tpu.memory_space<hbm>> -> memref<128xi32, #tpu.memory_space<hbm>>
    %dma_wait3A_297 = tpu.memref_slice %arg10[%dma_wait3A_289, %dma_wait3A_290] : memref<2x4x!tpu.dma_semaphore, #tpu.memory_space<semaphore_mem>> -> memref<1x1x!tpu.dma_semaphore, #tpu.memory_space<semaphore_mem>>
    %dma_wait3A_298 = tpu.memref_squeeze %dma_wait3A_297 : memref<1x1x!tpu.dma_semaphore, #tpu.memory_space<semaphore_mem>> -> memref<!tpu.dma_semaphore, #tpu.memory_space<semaphore_mem>>
    %dma_wait3A_299 = arith.constant 256 : i32
    %dma_wait3A_300 = tpu.memref_slice %arg6[%dma_wait3A_299] : memref<512xi32, #tpu.memory_space<vmem>> -> memref<128xi32, #tpu.memory_space<vmem>>
    %dma_wait3A_301 = arith.constant 0 : i32
    %dma_wait3A_302 = tpu.memref_slice %arg2[%dma_wait3A_288, %dma_wait3A_301] : memref<2x16384xi32, #tpu.memory_space<hbm>> -> memref<1x16384xi32, #tpu.memory_space<hbm>>
    %dma_wait3A_303 = tpu.memref_squeeze %dma_wait3A_302 : memref<1x16384xi32, #tpu.memory_space<hbm>> -> memref<16384xi32, #tpu.memory_space<hbm>>
    %dma_wait3A_304 = tpu.memref_slice %dma_wait3A_303[%add3A_117] : memref<16384xi32, #tpu.memory_space<hbm>> -> memref<128xi32, #tpu.memory_space<hbm>>
    tpu.wait_dma2 semaphore(%dma_wait3A_298 : memref<!tpu.dma_semaphore, #tpu.memory_space<semaphore_mem>>) src(%dma_wait3A_304 : memref<128xi32, #tpu.memory_space<hbm>>) dst(%dma_wait3A_300 : memref<128xi32, #tpu.memory_space<vmem>>)
    %dma_start3A_305 = arith.constant 1 : i32
    %dma_start3A_306 = arith.constant 2 : i32
    %dma_start3A_307 = arith.constant 256 : i32
    %dma_start3A_308 = tpu.memref_slice %arg8[%dma_start3A_307] : memref<512xf32, #tpu.memory_space<vmem>> -> memref<128xf32, #tpu.memory_space<vmem>>
    %dma_start3A_309 = arith.constant 256 : i32
    %dma_start3A_310 = tpu.memref_slice %arg6[%dma_start3A_309] : memref<512xi32, #tpu.memory_space<vmem>> -> memref<128xi32, #tpu.memory_space<vmem>>
    %dma_start3A_311 = arith.constant 0 : i32
    %dma_start3A_312 = tpu.memref_slice %arg3[%dma_start3A_311] : memref<1000000xf32, #tpu.memory_space<hbm>> -> memref<1000000xf32, #tpu.memory_space<hbm>>
    %dma_start3A_313 = tpu.memref_slice %arg11[%dma_start3A_305, %dma_start3A_306] : memref<2x4x!tpu.dma_semaphore, #tpu.memory_space<semaphore_mem>> -> memref<1x1x!tpu.dma_semaphore, #tpu.memory_space<semaphore_mem>>
    %dma_start3A_314 = tpu.memref_squeeze %dma_start3A_313 : memref<1x1x!tpu.dma_semaphore, #tpu.memory_space<semaphore_mem>> -> memref<!tpu.dma_semaphore, #tpu.memory_space<semaphore_mem>>
    tpu.enqueue_indirect_dma source(%dma_start3A_312 : memref<1000000xf32, #tpu.memory_space<hbm>>) target(%dma_start3A_308 : memref<128xf32, #tpu.memory_space<vmem>>) offsets(%dma_start3A_310 : memref<128xi32, #tpu.memory_space<vmem>>) semaphore(%dma_start3A_314 : memref<!tpu.dma_semaphore, #tpu.memory_space<semaphore_mem>>)
    %dma_wait3A_315 = arith.constant 0 : i32
    %dma_wait3A_316 = arith.constant 0 : i32
    %dma_wait3A_317 = arith.constant 3 : i32
    %dma_wait3A_318 = arith.constant 384 : i32
    %dma_wait3A_319 = tpu.memref_slice %arg5[%dma_wait3A_318] : memref<512xi32, #tpu.memory_space<vmem>> -> memref<128xi32, #tpu.memory_space<vmem>>
    %dma_wait3A_320 = arith.constant 0 : i32
    %dma_wait3A_321 = tpu.memref_slice %arg2[%dma_wait3A_315, %dma_wait3A_320] : memref<2x16384xi32, #tpu.memory_space<hbm>> -> memref<1x16384xi32, #tpu.memory_space<hbm>>
    %dma_wait3A_322 = tpu.memref_squeeze %dma_wait3A_321 : memref<1x16384xi32, #tpu.memory_space<hbm>> -> memref<16384xi32, #tpu.memory_space<hbm>>
    %dma_wait3A_323 = tpu.memref_slice %dma_wait3A_322[%add3A_60] : memref<16384xi32, #tpu.memory_space<hbm>> -> memref<128xi32, #tpu.memory_space<hbm>>
    %dma_wait3A_324 = tpu.memref_slice %arg10[%dma_wait3A_316, %dma_wait3A_317] : memref<2x4x!tpu.dma_semaphore, #tpu.memory_space<semaphore_mem>> -> memref<1x1x!tpu.dma_semaphore, #tpu.memory_space<semaphore_mem>>
    %dma_wait3A_325 = tpu.memref_squeeze %dma_wait3A_324 : memref<1x1x!tpu.dma_semaphore, #tpu.memory_space<semaphore_mem>> -> memref<!tpu.dma_semaphore, #tpu.memory_space<semaphore_mem>>
    %dma_wait3A_326 = arith.constant 384 : i32
    %dma_wait3A_327 = tpu.memref_slice %arg5[%dma_wait3A_326] : memref<512xi32, #tpu.memory_space<vmem>> -> memref<128xi32, #tpu.memory_space<vmem>>
    %dma_wait3A_328 = arith.constant 0 : i32
    %dma_wait3A_329 = tpu.memref_slice %arg2[%dma_wait3A_315, %dma_wait3A_328] : memref<2x16384xi32, #tpu.memory_space<hbm>> -> memref<1x16384xi32, #tpu.memory_space<hbm>>
    %dma_wait3A_330 = tpu.memref_squeeze %dma_wait3A_329 : memref<1x16384xi32, #tpu.memory_space<hbm>> -> memref<16384xi32, #tpu.memory_space<hbm>>
    %dma_wait3A_331 = tpu.memref_slice %dma_wait3A_330[%add3A_60] : memref<16384xi32, #tpu.memory_space<hbm>> -> memref<128xi32, #tpu.memory_space<hbm>>
    tpu.wait_dma2 semaphore(%dma_wait3A_325 : memref<!tpu.dma_semaphore, #tpu.memory_space<semaphore_mem>>) src(%dma_wait3A_331 : memref<128xi32, #tpu.memory_space<hbm>>) dst(%dma_wait3A_327 : memref<128xi32, #tpu.memory_space<vmem>>)
    %dma_start3A_332 = arith.constant 0 : i32
    %dma_start3A_333 = arith.constant 3 : i32
    %dma_start3A_334 = arith.constant 384 : i32
    %dma_start3A_335 = tpu.memref_slice %arg7[%dma_start3A_334] : memref<512xf32, #tpu.memory_space<vmem>> -> memref<128xf32, #tpu.memory_space<vmem>>
    %dma_start3A_336 = arith.constant 384 : i32
    %dma_start3A_337 = tpu.memref_slice %arg5[%dma_start3A_336] : memref<512xi32, #tpu.memory_space<vmem>> -> memref<128xi32, #tpu.memory_space<vmem>>
    %dma_start3A_338 = arith.constant 0 : i32
    %dma_start3A_339 = tpu.memref_slice %arg3[%dma_start3A_338] : memref<1000000xf32, #tpu.memory_space<hbm>> -> memref<1000000xf32, #tpu.memory_space<hbm>>
    %dma_start3A_340 = tpu.memref_slice %arg11[%dma_start3A_332, %dma_start3A_333] : memref<2x4x!tpu.dma_semaphore, #tpu.memory_space<semaphore_mem>> -> memref<1x1x!tpu.dma_semaphore, #tpu.memory_space<semaphore_mem>>
    %dma_start3A_341 = tpu.memref_squeeze %dma_start3A_340 : memref<1x1x!tpu.dma_semaphore, #tpu.memory_space<semaphore_mem>> -> memref<!tpu.dma_semaphore, #tpu.memory_space<semaphore_mem>>
    tpu.enqueue_indirect_dma source(%dma_start3A_339 : memref<1000000xf32, #tpu.memory_space<hbm>>) target(%dma_start3A_335 : memref<128xf32, #tpu.memory_space<vmem>>) offsets(%dma_start3A_337 : memref<128xi32, #tpu.memory_space<vmem>>) semaphore(%dma_start3A_341 : memref<!tpu.dma_semaphore, #tpu.memory_space<semaphore_mem>>)
    %dma_wait3A_342 = arith.constant 1 : i32
    %dma_wait3A_343 = arith.constant 1 : i32
    %dma_wait3A_344 = arith.constant 3 : i32
    %dma_wait3A_345 = arith.constant 384 : i32
    %dma_wait3A_346 = tpu.memref_slice %arg6[%dma_wait3A_345] : memref<512xi32, #tpu.memory_space<vmem>> -> memref<128xi32, #tpu.memory_space<vmem>>
    %dma_wait3A_347 = arith.constant 0 : i32
    %dma_wait3A_348 = tpu.memref_slice %arg2[%dma_wait3A_342, %dma_wait3A_347] : memref<2x16384xi32, #tpu.memory_space<hbm>> -> memref<1x16384xi32, #tpu.memory_space<hbm>>
    %dma_wait3A_349 = tpu.memref_squeeze %dma_wait3A_348 : memref<1x16384xi32, #tpu.memory_space<hbm>> -> memref<16384xi32, #tpu.memory_space<hbm>>
    %dma_wait3A_350 = tpu.memref_slice %dma_wait3A_349[%add3A_136] : memref<16384xi32, #tpu.memory_space<hbm>> -> memref<128xi32, #tpu.memory_space<hbm>>
    %dma_wait3A_351 = tpu.memref_slice %arg10[%dma_wait3A_343, %dma_wait3A_344] : memref<2x4x!tpu.dma_semaphore, #tpu.memory_space<semaphore_mem>> -> memref<1x1x!tpu.dma_semaphore, #tpu.memory_space<semaphore_mem>>
    %dma_wait3A_352 = tpu.memref_squeeze %dma_wait3A_351 : memref<1x1x!tpu.dma_semaphore, #tpu.memory_space<semaphore_mem>> -> memref<!tpu.dma_semaphore, #tpu.memory_space<semaphore_mem>>
    %dma_wait3A_353 = arith.constant 384 : i32
    %dma_wait3A_354 = tpu.memref_slice %arg6[%dma_wait3A_353] : memref<512xi32, #tpu.memory_space<vmem>> -> memref<128xi32, #tpu.memory_space<vmem>>
    %dma_wait3A_355 = arith.constant 0 : i32
    %dma_wait3A_356 = tpu.memref_slice %arg2[%dma_wait3A_342, %dma_wait3A_355] : memref<2x16384xi32, #tpu.memory_space<hbm>> -> memref<1x16384xi32, #tpu.memory_space<hbm>>
    %dma_wait3A_357 = tpu.memref_squeeze %dma_wait3A_356 : memref<1x16384xi32, #tpu.memory_space<hbm>> -> memref<16384xi32, #tpu.memory_space<hbm>>
    %dma_wait3A_358 = tpu.memref_slice %dma_wait3A_357[%add3A_136] : memref<16384xi32, #tpu.memory_space<hbm>> -> memref<128xi32, #tpu.memory_space<hbm>>
    tpu.wait_dma2 semaphore(%dma_wait3A_352 : memref<!tpu.dma_semaphore, #tpu.memory_space<semaphore_mem>>) src(%dma_wait3A_358 : memref<128xi32, #tpu.memory_space<hbm>>) dst(%dma_wait3A_354 : memref<128xi32, #tpu.memory_space<vmem>>)
    %dma_start3A_359 = arith.constant 1 : i32
    %dma_start3A_360 = arith.constant 3 : i32
    %dma_start3A_361 = arith.constant 384 : i32
    %dma_start3A_362 = tpu.memref_slice %arg8[%dma_start3A_361] : memref<512xf32, #tpu.memory_space<vmem>> -> memref<128xf32, #tpu.memory_space<vmem>>
    %dma_start3A_363 = arith.constant 384 : i32
    %dma_start3A_364 = tpu.memref_slice %arg6[%dma_start3A_363] : memref<512xi32, #tpu.memory_space<vmem>> -> memref<128xi32, #tpu.memory_space<vmem>>
    %dma_start3A_365 = arith.constant 0 : i32
    %dma_start3A_366 = tpu.memref_slice %arg3[%dma_start3A_365] : memref<1000000xf32, #tpu.memory_space<hbm>> -> memref<1000000xf32, #tpu.memory_space<hbm>>
    %dma_start3A_367 = tpu.memref_slice %arg11[%dma_start3A_359, %dma_start3A_360] : memref<2x4x!tpu.dma_semaphore, #tpu.memory_space<semaphore_mem>> -> memref<1x1x!tpu.dma_semaphore, #tpu.memory_space<semaphore_mem>>
    %dma_start3A_368 = tpu.memref_squeeze %dma_start3A_367 : memref<1x1x!tpu.dma_semaphore, #tpu.memory_space<semaphore_mem>> -> memref<!tpu.dma_semaphore, #tpu.memory_space<semaphore_mem>>
    tpu.enqueue_indirect_dma source(%dma_start3A_366 : memref<1000000xf32, #tpu.memory_space<hbm>>) target(%dma_start3A_362 : memref<128xf32, #tpu.memory_space<vmem>>) offsets(%dma_start3A_364 : memref<128xi32, #tpu.memory_space<vmem>>) semaphore(%dma_start3A_368 : memref<!tpu.dma_semaphore, #tpu.memory_space<semaphore_mem>>)
    %dma_wait3A_369 = arith.constant 0 : i32
    %dma_wait3A_370 = arith.constant 0 : i32
    %dma_wait3A_371 = arith.constant 0 : i32
    %dma_wait3A_372 = tpu.memref_slice %arg7[%dma_wait3A_371] : memref<512xf32, #tpu.memory_space<vmem>> -> memref<128xf32, #tpu.memory_space<vmem>>
    %dma_wait3A_373 = arith.constant 0 : i32
    %dma_wait3A_374 = tpu.memref_slice %arg5[%dma_wait3A_373] : memref<512xi32, #tpu.memory_space<vmem>> -> memref<128xi32, #tpu.memory_space<vmem>>
    %dma_wait3A_375 = arith.constant 0 : i32
    %dma_wait3A_376 = tpu.memref_slice %arg3[%dma_wait3A_375] : memref<1000000xf32, #tpu.memory_space<hbm>> -> memref<1000000xf32, #tpu.memory_space<hbm>>
    %dma_wait3A_377 = tpu.memref_slice %arg11[%dma_wait3A_369, %dma_wait3A_370] : memref<2x4x!tpu.dma_semaphore, #tpu.memory_space<semaphore_mem>> -> memref<1x1x!tpu.dma_semaphore, #tpu.memory_space<semaphore_mem>>
    %dma_wait3A_378 = tpu.memref_squeeze %dma_wait3A_377 : memref<1x1x!tpu.dma_semaphore, #tpu.memory_space<semaphore_mem>> -> memref<!tpu.dma_semaphore, #tpu.memory_space<semaphore_mem>>
    tpu.wait_indirect_dma semaphore(%dma_wait3A_378 : memref<!tpu.dma_semaphore, #tpu.memory_space<semaphore_mem>>) src(%dma_wait3A_376 : memref<1000000xf32, #tpu.memory_space<hbm>>) dst(%dma_wait3A_372 : memref<128xf32, #tpu.memory_space<vmem>>)
    %dma_wait3A_379 = arith.constant 1 : i32
    %dma_wait3A_380 = arith.constant 0 : i32
    %dma_wait3A_381 = arith.constant 0 : i32
    %dma_wait3A_382 = tpu.memref_slice %arg8[%dma_wait3A_381] : memref<512xf32, #tpu.memory_space<vmem>> -> memref<128xf32, #tpu.memory_space<vmem>>
    %dma_wait3A_383 = arith.constant 0 : i32
    %dma_wait3A_384 = tpu.memref_slice %arg6[%dma_wait3A_383] : memref<512xi32, #tpu.memory_space<vmem>> -> memref<128xi32, #tpu.memory_space<vmem>>
    %dma_wait3A_385 = arith.constant 0 : i32
    %dma_wait3A_386 = tpu.memref_slice %arg3[%dma_wait3A_385] : memref<1000000xf32, #tpu.memory_space<hbm>> -> memref<1000000xf32, #tpu.memory_space<hbm>>
    %dma_wait3A_387 = tpu.memref_slice %arg11[%dma_wait3A_379, %dma_wait3A_380] : memref<2x4x!tpu.dma_semaphore, #tpu.memory_space<semaphore_mem>> -> memref<1x1x!tpu.dma_semaphore, #tpu.memory_space<semaphore_mem>>
    %dma_wait3A_388 = tpu.memref_squeeze %dma_wait3A_387 : memref<1x1x!tpu.dma_semaphore, #tpu.memory_space<semaphore_mem>> -> memref<!tpu.dma_semaphore, #tpu.memory_space<semaphore_mem>>
    tpu.wait_indirect_dma semaphore(%dma_wait3A_388 : memref<!tpu.dma_semaphore, #tpu.memory_space<semaphore_mem>>) src(%dma_wait3A_386 : memref<1000000xf32, #tpu.memory_space<hbm>>) dst(%dma_wait3A_382 : memref<128xf32, #tpu.memory_space<vmem>>)
    %scan3A = arith.constant 0 : i32
    %scan3A_389 = arith.constant 0 : i32
    %scan3A_390 = arith.constant 8 : i32
    %scan3A_391 = arith.addi %scan3A_389, %scan3A_390 : i32
    %scan3A_392 = arith.constant 2 : i32
    %scan3A_393 = scf.for %scan3A_532 = %scan3A_389 to %scan3A_391 step %scan3A_392 iter_args(%scan3A_533 = %scan3A) -> (i32)  : i32 {
      %mul3A_534 = arith.constant 16 : i32
      %mul3A_535 = arith.muli %scan3A_532, %mul3A_534 : i32
      %get3A = arith.index_cast %mul3A_535 : i32 to index
      %get3A_536 = tpu.vector_load %arg7[%get3A] {strides = array<i32>} : memref<512xf32, #tpu.memory_space<vmem>>, vector<16xf32>,
      %get3A_537 = arith.index_cast %mul3A_535 : i32 to index
      %get3A_538 = tpu.vector_load %arg8[%get3A_537] {strides = array<i32>} : memref<512xf32, #tpu.memory_space<vmem>>, vector<16xf32>,
      %add3A_539 = arith.addf %get3A_536, %get3A_538 : vector<16xf32>
      %div3A = arith.divf %get3A_536, %add3A_539 : vector<16xf32>
      %swap3A = arith.index_cast %mul3A_535 : i32 to index
      %swap3A_540 = tpu.vector_load %arg9[%swap3A] {strides = array<i32>} : memref<512xf32, #tpu.memory_space<vmem>>, vector<16xf32>,
      tpu.vector_store %arg9[%swap3A], %div3A {strides = array<i32>} : memref<512xf32, #tpu.memory_space<vmem>>, vector<16xf32>,
      %scan3A_541 = arith.constant 0 : i32
      %scan3A_542 = arith.constant 1 : i32
      %scan3A_543 = arith.addi %scan3A_532, %scan3A_542 : i32
      %mul3A_544 = arith.constant 16 : i32
      %mul3A_545 = arith.muli %scan3A_543, %mul3A_544 : i32
      %get3A_546 = arith.index_cast %mul3A_545 : i32 to index
      %get3A_547 = tpu.vector_load %arg7[%get3A_546] {strides = array<i32>} : memref<512xf32, #tpu.memory_space<vmem>>, vector<16xf32>,
      %get3A_548 = arith.index_cast %mul3A_545 : i32 to index
      %get3A_549 = tpu.vector_load %arg8[%get3A_548] {strides = array<i32>} : memref<512xf32, #tpu.memory_space<vmem>>, vector<16xf32>,
      %add3A_550 = arith.addf %get3A_547, %get3A_549 : vector<16xf32>
      %div3A_551 = arith.divf %get3A_547, %add3A_550 : vector<16xf32>
      %swap3A_552 = arith.index_cast %mul3A_545 : i32 to index
      %swap3A_553 = tpu.vector_load %arg9[%swap3A_552] {strides = array<i32>} : memref<512xf32, #tpu.memory_space<vmem>>, vector<16xf32>,
      tpu.vector_store %arg9[%swap3A_552], %div3A_551 {strides = array<i32>} : memref<512xf32, #tpu.memory_space<vmem>>, vector<16xf32>,
      %scan3A_554 = arith.constant 0 : i32
      scf.yield %scan3A_554 : i32
    }
    %scan3A_394 = arith.constant 8 : i32
    %add3A_395 = arith.constant 0 : i32
    %add3A_396 = arith.addi %mul3A_2, %add3A_395 : i32
    %dma_start3A_397 = arith.constant 0 : i32
    %dma_start3A_398 = tpu.memref_slice %arg9[%dma_start3A_397] : memref<512xf32, #tpu.memory_space<vmem>> -> memref<128xf32, #tpu.memory_space<vmem>>
    %dma_start3A_399 = tpu.memref_slice %arg4[%add3A_396] : memref<16384xf32, #tpu.memory_space<hbm>> -> memref<128xf32, #tpu.memory_space<hbm>>
    %dma_start3A_400 = tpu.memref_slice %arg4[%add3A_396] : memref<16384xf32, #tpu.memory_space<hbm>> -> memref<128xf32, #tpu.memory_space<hbm>>
    %dma_start3A_401 = arith.constant 0 : i32
    %dma_start3A_402 = tpu.memref_slice %arg9[%dma_start3A_401] : memref<512xf32, #tpu.memory_space<vmem>> -> memref<128xf32, #tpu.memory_space<vmem>>
    tpu.enqueue_dma source(%dma_start3A_402 : memref<128xf32, #tpu.memory_space<vmem>>) target(%dma_start3A_400 : memref<128xf32, #tpu.memory_space<hbm>>) target_semaphore(%arg12 : memref<!tpu.dma_semaphore, #tpu.memory_space<semaphore_mem>>)
    %dma_wait3A_403 = arith.constant 0 : i32
    %dma_wait3A_404 = arith.constant 1 : i32
    %dma_wait3A_405 = arith.constant 128 : i32
    %dma_wait3A_406 = tpu.memref_slice %arg7[%dma_wait3A_405] : memref<512xf32, #tpu.memory_space<vmem>> -> memref<128xf32, #tpu.memory_space<vmem>>
    %dma_wait3A_407 = arith.constant 128 : i32
    %dma_wait3A_408 = tpu.memref_slice %arg5[%dma_wait3A_407] : memref<512xi32, #tpu.memory_space<vmem>> -> memref<128xi32, #tpu.memory_space<vmem>>
    %dma_wait3A_409 = arith.constant 0 : i32
    %dma_wait3A_410 = tpu.memref_slice %arg3[%dma_wait3A_409] : memref<1000000xf32, #tpu.memory_space<hbm>> -> memref<1000000xf32, #tpu.memory_space<hbm>>
    %dma_wait3A_411 = tpu.memref_slice %arg11[%dma_wait3A_403, %dma_wait3A_404] : memref<2x4x!tpu.dma_semaphore, #tpu.memory_space<semaphore_mem>> -> memref<1x1x!tpu.dma_semaphore, #tpu.memory_space<semaphore_mem>>
    %dma_wait3A_412 = tpu.memref_squeeze %dma_wait3A_411 : memref<1x1x!tpu.dma_semaphore, #tpu.memory_space<semaphore_mem>> -> memref<!tpu.dma_semaphore, #tpu.memory_space<semaphore_mem>>
    tpu.wait_indirect_dma semaphore(%dma_wait3A_412 : memref<!tpu.dma_semaphore, #tpu.memory_space<semaphore_mem>>) src(%dma_wait3A_410 : memref<1000000xf32, #tpu.memory_space<hbm>>) dst(%dma_wait3A_406 : memref<128xf32, #tpu.memory_space<vmem>>)
    %dma_wait3A_413 = arith.constant 1 : i32
    %dma_wait3A_414 = arith.constant 1 : i32
    %dma_wait3A_415 = arith.constant 128 : i32
    %dma_wait3A_416 = tpu.memref_slice %arg8[%dma_wait3A_415] : memref<512xf32, #tpu.memory_space<vmem>> -> memref<128xf32, #tpu.memory_space<vmem>>
    %dma_wait3A_417 = arith.constant 128 : i32
    %dma_wait3A_418 = tpu.memref_slice %arg6[%dma_wait3A_417] : memref<512xi32, #tpu.memory_space<vmem>> -> memref<128xi32, #tpu.memory_space<vmem>>
    %dma_wait3A_419 = arith.constant 0 : i32
    %dma_wait3A_420 = tpu.memref_slice %arg3[%dma_wait3A_419] : memref<1000000xf32, #tpu.memory_space<hbm>> -> memref<1000000xf32, #tpu.memory_space<hbm>>
    %dma_wait3A_421 = tpu.memref_slice %arg11[%dma_wait3A_413, %dma_wait3A_414] : memref<2x4x!tpu.dma_semaphore, #tpu.memory_space<semaphore_mem>> -> memref<1x1x!tpu.dma_semaphore, #tpu.memory_space<semaphore_mem>>
    %dma_wait3A_422 = tpu.memref_squeeze %dma_wait3A_421 : memref<1x1x!tpu.dma_semaphore, #tpu.memory_space<semaphore_mem>> -> memref<!tpu.dma_semaphore, #tpu.memory_space<semaphore_mem>>
    tpu.wait_indirect_dma semaphore(%dma_wait3A_422 : memref<!tpu.dma_semaphore, #tpu.memory_space<semaphore_mem>>) src(%dma_wait3A_420 : memref<1000000xf32, #tpu.memory_space<hbm>>) dst(%dma_wait3A_416 : memref<128xf32, #tpu.memory_space<vmem>>)
    %scan3A_423 = arith.constant 0 : i32
    %scan3A_424 = arith.constant 8 : i32
    %scan3A_425 = arith.constant 8 : i32
    %scan3A_426 = arith.addi %scan3A_424, %scan3A_425 : i32
    %scan3A_427 = arith.constant 2 : i32
    %scan3A_428 = scf.for %scan3A_532 = %scan3A_424 to %scan3A_426 step %scan3A_427 iter_args(%scan3A_533 = %scan3A_423) -> (i32)  : i32 {
      %mul3A_534 = arith.constant 16 : i32
      %mul3A_535 = arith.muli %scan3A_532, %mul3A_534 : i32
      %get3A = arith.index_cast %mul3A_535 : i32 to index
      %get3A_536 = tpu.vector_load %arg7[%get3A] {strides = array<i32>} : memref<512xf32, #tpu.memory_space<vmem>>, vector<16xf32>,
      %get3A_537 = arith.index_cast %mul3A_535 : i32 to index
      %get3A_538 = tpu.vector_load %arg8[%get3A_537] {strides = array<i32>} : memref<512xf32, #tpu.memory_space<vmem>>, vector<16xf32>,
      %add3A_539 = arith.addf %get3A_536, %get3A_538 : vector<16xf32>
      %div3A = arith.divf %get3A_536, %add3A_539 : vector<16xf32>
      %swap3A = arith.index_cast %mul3A_535 : i32 to index
      %swap3A_540 = tpu.vector_load %arg9[%swap3A] {strides = array<i32>} : memref<512xf32, #tpu.memory_space<vmem>>, vector<16xf32>,
      tpu.vector_store %arg9[%swap3A], %div3A {strides = array<i32>} : memref<512xf32, #tpu.memory_space<vmem>>, vector<16xf32>,
      %scan3A_541 = arith.constant 0 : i32
      %scan3A_542 = arith.constant 1 : i32
      %scan3A_543 = arith.addi %scan3A_532, %scan3A_542 : i32
      %mul3A_544 = arith.constant 16 : i32
      %mul3A_545 = arith.muli %scan3A_543, %mul3A_544 : i32
      %get3A_546 = arith.index_cast %mul3A_545 : i32 to index
      %get3A_547 = tpu.vector_load %arg7[%get3A_546] {strides = array<i32>} : memref<512xf32, #tpu.memory_space<vmem>>, vector<16xf32>,
      %get3A_548 = arith.index_cast %mul3A_545 : i32 to index
      %get3A_549 = tpu.vector_load %arg8[%get3A_548] {strides = array<i32>} : memref<512xf32, #tpu.memory_space<vmem>>, vector<16xf32>,
      %add3A_550 = arith.addf %get3A_547, %get3A_549 : vector<16xf32>
      %div3A_551 = arith.divf %get3A_547, %add3A_550 : vector<16xf32>
      %swap3A_552 = arith.index_cast %mul3A_545 : i32 to index
      %swap3A_553 = tpu.vector_load %arg9[%swap3A_552] {strides = array<i32>} : memref<512xf32, #tpu.memory_space<vmem>>, vector<16xf32>,
      tpu.vector_store %arg9[%swap3A_552], %div3A_551 {strides = array<i32>} : memref<512xf32, #tpu.memory_space<vmem>>, vector<16xf32>,
      %scan3A_554 = arith.constant 0 : i32
      scf.yield %scan3A_554 : i32
    }
    %scan3A_429 = arith.constant 8 : i32
    %add3A_430 = arith.constant 128 : i32
    %add3A_431 = arith.addi %mul3A_2, %add3A_430 : i32
    %dma_start3A_432 = arith.constant 128 : i32
    %dma_start3A_433 = tpu.memref_slice %arg9[%dma_start3A_432] : memref<512xf32, #tpu.memory_space<vmem>> -> memref<128xf32, #tpu.memory_space<vmem>>
    %dma_start3A_434 = tpu.memref_slice %arg4[%add3A_431] : memref<16384xf32, #tpu.memory_space<hbm>> -> memref<128xf32, #tpu.memory_space<hbm>>
    %dma_start3A_435 = tpu.memref_slice %arg4[%add3A_431] : memref<16384xf32, #tpu.memory_space<hbm>> -> memref<128xf32, #tpu.memory_space<hbm>>
    %dma_start3A_436 = arith.constant 128 : i32
    %dma_start3A_437 = tpu.memref_slice %arg9[%dma_start3A_436] : memref<512xf32, #tpu.memory_space<vmem>> -> memref<128xf32, #tpu.memory_space<vmem>>
    tpu.enqueue_dma source(%dma_start3A_437 : memref<128xf32, #tpu.memory_space<vmem>>) target(%dma_start3A_435 : memref<128xf32, #tpu.memory_space<hbm>>) target_semaphore(%arg12 : memref<!tpu.dma_semaphore, #tpu.memory_space<semaphore_mem>>)
    %dma_wait3A_438 = arith.constant 0 : i32
    %dma_wait3A_439 = arith.constant 2 : i32
    %dma_wait3A_440 = arith.constant 256 : i32
    %dma_wait3A_441 = tpu.memref_slice %arg7[%dma_wait3A_440] : memref<512xf32, #tpu.memory_space<vmem>> -> memref<128xf32, #tpu.memory_space<vmem>>
    %dma_wait3A_442 = arith.constant 256 : i32
    %dma_wait3A_443 = tpu.memref_slice %arg5[%dma_wait3A_442] : memref<512xi32, #tpu.memory_space<vmem>> -> memref<128xi32, #tpu.memory_space<vmem>>
    %dma_wait3A_444 = arith.constant 0 : i32
    %dma_wait3A_445 = tpu.memref_slice %arg3[%dma_wait3A_444] : memref<1000000xf32, #tpu.memory_space<hbm>> -> memref<1000000xf32, #tpu.memory_space<hbm>>
    %dma_wait3A_446 = tpu.memref_slice %arg11[%dma_wait3A_438, %dma_wait3A_439] : memref<2x4x!tpu.dma_semaphore, #tpu.memory_space<semaphore_mem>> -> memref<1x1x!tpu.dma_semaphore, #tpu.memory_space<semaphore_mem>>
    %dma_wait3A_447 = tpu.memref_squeeze %dma_wait3A_446 : memref<1x1x!tpu.dma_semaphore, #tpu.memory_space<semaphore_mem>> -> memref<!tpu.dma_semaphore, #tpu.memory_space<semaphore_mem>>
    tpu.wait_indirect_dma semaphore(%dma_wait3A_447 : memref<!tpu.dma_semaphore, #tpu.memory_space<semaphore_mem>>) src(%dma_wait3A_445 : memref<1000000xf32, #tpu.memory_space<hbm>>) dst(%dma_wait3A_441 : memref<128xf32, #tpu.memory_space<vmem>>)
    %dma_wait3A_448 = arith.constant 1 : i32
    %dma_wait3A_449 = arith.constant 2 : i32
    %dma_wait3A_450 = arith.constant 256 : i32
    %dma_wait3A_451 = tpu.memref_slice %arg8[%dma_wait3A_450] : memref<512xf32, #tpu.memory_space<vmem>> -> memref<128xf32, #tpu.memory_space<vmem>>
    %dma_wait3A_452 = arith.constant 256 : i32
    %dma_wait3A_453 = tpu.memref_slice %arg6[%dma_wait3A_452] : memref<512xi32, #tpu.memory_space<vmem>> -> memref<128xi32, #tpu.memory_space<vmem>>
    %dma_wait3A_454 = arith.constant 0 : i32
    %dma_wait3A_455 = tpu.memref_slice %arg3[%dma_wait3A_454] : memref<1000000xf32, #tpu.memory_space<hbm>> -> memref<1000000xf32, #tpu.memory_space<hbm>>
    %dma_wait3A_456 = tpu.memref_slice %arg11[%dma_wait3A_448, %dma_wait3A_449] : memref<2x4x!tpu.dma_semaphore, #tpu.memory_space<semaphore_mem>> -> memref<1x1x!tpu.dma_semaphore, #tpu.memory_space<semaphore_mem>>
    %dma_wait3A_457 = tpu.memref_squeeze %dma_wait3A_456 : memref<1x1x!tpu.dma_semaphore, #tpu.memory_space<semaphore_mem>> -> memref<!tpu.dma_semaphore, #tpu.memory_space<semaphore_mem>>
    tpu.wait_indirect_dma semaphore(%dma_wait3A_457 : memref<!tpu.dma_semaphore, #tpu.memory_space<semaphore_mem>>) src(%dma_wait3A_455 : memref<1000000xf32, #tpu.memory_space<hbm>>) dst(%dma_wait3A_451 : memref<128xf32, #tpu.memory_space<vmem>>)
    %scan3A_458 = arith.constant 0 : i32
    %scan3A_459 = arith.constant 16 : i32
    %scan3A_460 = arith.constant 8 : i32
    %scan3A_461 = arith.addi %scan3A_459, %scan3A_460 : i32
    %scan3A_462 = arith.constant 2 : i32
    %scan3A_463 = scf.for %scan3A_532 = %scan3A_459 to %scan3A_461 step %scan3A_462 iter_args(%scan3A_533 = %scan3A_458) -> (i32)  : i32 {
      %mul3A_534 = arith.constant 16 : i32
      %mul3A_535 = arith.muli %scan3A_532, %mul3A_534 : i32
      %get3A = arith.index_cast %mul3A_535 : i32 to index
      %get3A_536 = tpu.vector_load %arg7[%get3A] {strides = array<i32>} : memref<512xf32, #tpu.memory_space<vmem>>, vector<16xf32>,
      %get3A_537 = arith.index_cast %mul3A_535 : i32 to index
      %get3A_538 = tpu.vector_load %arg8[%get3A_537] {strides = array<i32>} : memref<512xf32, #tpu.memory_space<vmem>>, vector<16xf32>,
      %add3A_539 = arith.addf %get3A_536, %get3A_538 : vector<16xf32>
      %div3A = arith.divf %get3A_536, %add3A_539 : vector<16xf32>
      %swap3A = arith.index_cast %mul3A_535 : i32 to index
      %swap3A_540 = tpu.vector_load %arg9[%swap3A] {strides = array<i32>} : memref<512xf32, #tpu.memory_space<vmem>>, vector<16xf32>,
      tpu.vector_store %arg9[%swap3A], %div3A {strides = array<i32>} : memref<512xf32, #tpu.memory_space<vmem>>, vector<16xf32>,
      %scan3A_541 = arith.constant 0 : i32
      %scan3A_542 = arith.constant 1 : i32
      %scan3A_543 = arith.addi %scan3A_532, %scan3A_542 : i32
      %mul3A_544 = arith.constant 16 : i32
      %mul3A_545 = arith.muli %scan3A_543, %mul3A_544 : i32
      %get3A_546 = arith.index_cast %mul3A_545 : i32 to index
      %get3A_547 = tpu.vector_load %arg7[%get3A_546] {strides = array<i32>} : memref<512xf32, #tpu.memory_space<vmem>>, vector<16xf32>,
      %get3A_548 = arith.index_cast %mul3A_545 : i32 to index
      %get3A_549 = tpu.vector_load %arg8[%get3A_548] {strides = array<i32>} : memref<512xf32, #tpu.memory_space<vmem>>, vector<16xf32>,
      %add3A_550 = arith.addf %get3A_547, %get3A_549 : vector<16xf32>
      %div3A_551 = arith.divf %get3A_547, %add3A_550 : vector<16xf32>
      %swap3A_552 = arith.index_cast %mul3A_545 : i32 to index
      %swap3A_553 = tpu.vector_load %arg9[%swap3A_552] {strides = array<i32>} : memref<512xf32, #tpu.memory_space<vmem>>, vector<16xf32>,
      tpu.vector_store %arg9[%swap3A_552], %div3A_551 {strides = array<i32>} : memref<512xf32, #tpu.memory_space<vmem>>, vector<16xf32>,
      %scan3A_554 = arith.constant 0 : i32
      scf.yield %scan3A_554 : i32
    }
    %scan3A_464 = arith.constant 8 : i32
    %add3A_465 = arith.constant 256 : i32
    %add3A_466 = arith.addi %mul3A_2, %add3A_465 : i32
    %dma_start3A_467 = arith.constant 256 : i32
    %dma_start3A_468 = tpu.memref_slice %arg9[%dma_start3A_467] : memref<512xf32, #tpu.memory_space<vmem>> -> memref<128xf32, #tpu.memory_space<vmem>>
    %dma_start3A_469 = tpu.memref_slice %arg4[%add3A_466] : memref<16384xf32, #tpu.memory_space<hbm>> -> memref<128xf32, #tpu.memory_space<hbm>>
    %dma_start3A_470 = tpu.memref_slice %arg4[%add3A_466] : memref<16384xf32, #tpu.memory_space<hbm>> -> memref<128xf32, #tpu.memory_space<hbm>>
    %dma_start3A_471 = arith.constant 256 : i32
    %dma_start3A_472 = tpu.memref_slice %arg9[%dma_start3A_471] : memref<512xf32, #tpu.memory_space<vmem>> -> memref<128xf32, #tpu.memory_space<vmem>>
    tpu.enqueue_dma source(%dma_start3A_472 : memref<128xf32, #tpu.memory_space<vmem>>) target(%dma_start3A_470 : memref<128xf32, #tpu.memory_space<hbm>>) target_semaphore(%arg12 : memref<!tpu.dma_semaphore, #tpu.memory_space<semaphore_mem>>)
    %dma_wait3A_473 = arith.constant 0 : i32
    %dma_wait3A_474 = arith.constant 3 : i32
    %dma_wait3A_475 = arith.constant 384 : i32
    %dma_wait3A_476 = tpu.memref_slice %arg7[%dma_wait3A_475] : memref<512xf32, #tpu.memory_space<vmem>> -> memref<128xf32, #tpu.memory_space<vmem>>
    %dma_wait3A_477 = arith.constant 384 : i32
    %dma_wait3A_478 = tpu.memref_slice %arg5[%dma_wait3A_477] : memref<512xi32, #tpu.memory_space<vmem>> -> memref<128xi32, #tpu.memory_space<vmem>>
    %dma_wait3A_479 = arith.constant 0 : i32
    %dma_wait3A_480 = tpu.memref_slice %arg3[%dma_wait3A_479] : memref<1000000xf32, #tpu.memory_space<hbm>> -> memref<1000000xf32, #tpu.memory_space<hbm>>
    %dma_wait3A_481 = tpu.memref_slice %arg11[%dma_wait3A_473, %dma_wait3A_474] : memref<2x4x!tpu.dma_semaphore, #tpu.memory_space<semaphore_mem>> -> memref<1x1x!tpu.dma_semaphore, #tpu.memory_space<semaphore_mem>>
    %dma_wait3A_482 = tpu.memref_squeeze %dma_wait3A_481 : memref<1x1x!tpu.dma_semaphore, #tpu.memory_space<semaphore_mem>> -> memref<!tpu.dma_semaphore, #tpu.memory_space<semaphore_mem>>
    tpu.wait_indirect_dma semaphore(%dma_wait3A_482 : memref<!tpu.dma_semaphore, #tpu.memory_space<semaphore_mem>>) src(%dma_wait3A_480 : memref<1000000xf32, #tpu.memory_space<hbm>>) dst(%dma_wait3A_476 : memref<128xf32, #tpu.memory_space<vmem>>)
    %dma_wait3A_483 = arith.constant 1 : i32
    %dma_wait3A_484 = arith.constant 3 : i32
    %dma_wait3A_485 = arith.constant 384 : i32
    %dma_wait3A_486 = tpu.memref_slice %arg8[%dma_wait3A_485] : memref<512xf32, #tpu.memory_space<vmem>> -> memref<128xf32, #tpu.memory_space<vmem>>
    %dma_wait3A_487 = arith.constant 384 : i32
    %dma_wait3A_488 = tpu.memref_slice %arg6[%dma_wait3A_487] : memref<512xi32, #tpu.memory_space<vmem>> -> memref<128xi32, #tpu.memory_space<vmem>>
    %dma_wait3A_489 = arith.constant 0 : i32
    %dma_wait3A_490 = tpu.memref_slice %arg3[%dma_wait3A_489] : memref<1000000xf32, #tpu.memory_space<hbm>> -> memref<1000000xf32, #tpu.memory_space<hbm>>
    %dma_wait3A_491 = tpu.memref_slice %arg11[%dma_wait3A_483, %dma_wait3A_484] : memref<2x4x!tpu.dma_semaphore, #tpu.memory_space<semaphore_mem>> -> memref<1x1x!tpu.dma_semaphore, #tpu.memory_space<semaphore_mem>>
    %dma_wait3A_492 = tpu.memref_squeeze %dma_wait3A_491 : memref<1x1x!tpu.dma_semaphore, #tpu.memory_space<semaphore_mem>> -> memref<!tpu.dma_semaphore, #tpu.memory_space<semaphore_mem>>
    tpu.wait_indirect_dma semaphore(%dma_wait3A_492 : memref<!tpu.dma_semaphore, #tpu.memory_space<semaphore_mem>>) src(%dma_wait3A_490 : memref<1000000xf32, #tpu.memory_space<hbm>>) dst(%dma_wait3A_486 : memref<128xf32, #tpu.memory_space<vmem>>)
    %scan3A_493 = arith.constant 0 : i32
    %scan3A_494 = arith.constant 24 : i32
    %scan3A_495 = arith.constant 8 : i32
    %scan3A_496 = arith.addi %scan3A_494, %scan3A_495 : i32
    %scan3A_497 = arith.constant 2 : i32
    %scan3A_498 = scf.for %scan3A_532 = %scan3A_494 to %scan3A_496 step %scan3A_497 iter_args(%scan3A_533 = %scan3A_493) -> (i32)  : i32 {
      %mul3A_534 = arith.constant 16 : i32
      %mul3A_535 = arith.muli %scan3A_532, %mul3A_534 : i32
      %get3A = arith.index_cast %mul3A_535 : i32 to index
      %get3A_536 = tpu.vector_load %arg7[%get3A] {strides = array<i32>} : memref<512xf32, #tpu.memory_space<vmem>>, vector<16xf32>,
      %get3A_537 = arith.index_cast %mul3A_535 : i32 to index
      %get3A_538 = tpu.vector_load %arg8[%get3A_537] {strides = array<i32>} : memref<512xf32, #tpu.memory_space<vmem>>, vector<16xf32>,
      %add3A_539 = arith.addf %get3A_536, %get3A_538 : vector<16xf32>
      %div3A = arith.divf %get3A_536, %add3A_539 : vector<16xf32>
      %swap3A = arith.index_cast %mul3A_535 : i32 to index
      %swap3A_540 = tpu.vector_load %arg9[%swap3A] {strides = array<i32>} : memref<512xf32, #tpu.memory_space<vmem>>, vector<16xf32>,
      tpu.vector_store %arg9[%swap3A], %div3A {strides = array<i32>} : memref<512xf32, #tpu.memory_space<vmem>>, vector<16xf32>,
      %scan3A_541 = arith.constant 0 : i32
      %scan3A_542 = arith.constant 1 : i32
      %scan3A_543 = arith.addi %scan3A_532, %scan3A_542 : i32
      %mul3A_544 = arith.constant 16 : i32
      %mul3A_545 = arith.muli %scan3A_543, %mul3A_544 : i32
      %get3A_546 = arith.index_cast %mul3A_545 : i32 to index
      %get3A_547 = tpu.vector_load %arg7[%get3A_546] {strides = array<i32>} : memref<512xf32, #tpu.memory_space<vmem>>, vector<16xf32>,
      %get3A_548 = arith.index_cast %mul3A_545 : i32 to index
      %get3A_549 = tpu.vector_load %arg8[%get3A_548] {strides = array<i32>} : memref<512xf32, #tpu.memory_space<vmem>>, vector<16xf32>,
      %add3A_550 = arith.addf %get3A_547, %get3A_549 : vector<16xf32>
      %div3A_551 = arith.divf %get3A_547, %add3A_550 : vector<16xf32>
      %swap3A_552 = arith.index_cast %mul3A_545 : i32 to index
      %swap3A_553 = tpu.vector_load %arg9[%swap3A_552] {strides = array<i32>} : memref<512xf32, #tpu.memory_space<vmem>>, vector<16xf32>,
      tpu.vector_store %arg9[%swap3A_552], %div3A_551 {strides = array<i32>} : memref<512xf32, #tpu.memory_space<vmem>>, vector<16xf32>,
      %scan3A_554 = arith.constant 0 : i32
      scf.yield %scan3A_554 : i32
    }
    %scan3A_499 = arith.constant 8 : i32
    %add3A_500 = arith.constant 384 : i32
    %add3A_501 = arith.addi %mul3A_2, %add3A_500 : i32
    %dma_start3A_502 = arith.constant 384 : i32
    %dma_start3A_503 = tpu.memref_slice %arg9[%dma_start3A_502] : memref<512xf32, #tpu.memory_space<vmem>> -> memref<128xf32, #tpu.memory_space<vmem>>
    %dma_start3A_504 = tpu.memref_slice %arg4[%add3A_501] : memref<16384xf32, #tpu.memory_space<hbm>> -> memref<128xf32, #tpu.memory_space<hbm>>
    %dma_start3A_505 = tpu.memref_slice %arg4[%add3A_501] : memref<16384xf32, #tpu.memory_space<hbm>> -> memref<128xf32, #tpu.memory_space<hbm>>
    %dma_start3A_506 = arith.constant 384 : i32
    %dma_start3A_507 = tpu.memref_slice %arg9[%dma_start3A_506] : memref<512xf32, #tpu.memory_space<vmem>> -> memref<128xf32, #tpu.memory_space<vmem>>
    tpu.enqueue_dma source(%dma_start3A_507 : memref<128xf32, #tpu.memory_space<vmem>>) target(%dma_start3A_505 : memref<128xf32, #tpu.memory_space<hbm>>) target_semaphore(%arg12 : memref<!tpu.dma_semaphore, #tpu.memory_space<semaphore_mem>>)
    %dma_wait3A_508 = arith.constant 0 : i32
    %dma_wait3A_509 = tpu.memref_slice %arg9[%dma_wait3A_508] : memref<512xf32, #tpu.memory_space<vmem>> -> memref<128xf32, #tpu.memory_space<vmem>>
    %dma_wait3A_510 = tpu.memref_slice %arg4[%add3A_396] : memref<16384xf32, #tpu.memory_space<hbm>> -> memref<128xf32, #tpu.memory_space<hbm>>
    %dma_wait3A_511 = tpu.memref_slice %arg4[%add3A_396] : memref<16384xf32, #tpu.memory_space<hbm>> -> memref<128xf32, #tpu.memory_space<hbm>>
    %dma_wait3A_512 = arith.constant 0 : i32
    %dma_wait3A_513 = tpu.memref_slice %arg9[%dma_wait3A_512] : memref<512xf32, #tpu.memory_space<vmem>> -> memref<128xf32, #tpu.memory_space<vmem>>
    tpu.wait_dma2 semaphore(%arg12 : memref<!tpu.dma_semaphore, #tpu.memory_space<semaphore_mem>>) src(%dma_wait3A_513 : memref<128xf32, #tpu.memory_space<vmem>>) dst(%dma_wait3A_511 : memref<128xf32, #tpu.memory_space<hbm>>)
    %dma_wait3A_514 = arith.constant 128 : i32
    %dma_wait3A_515 = tpu.memref_slice %arg9[%dma_wait3A_514] : memref<512xf32, #tpu.memory_space<vmem>> -> memref<128xf32, #tpu.memory_space<vmem>>
    %dma_wait3A_516 = tpu.memref_slice %arg4[%add3A_431] : memref<16384xf32, #tpu.memory_space<hbm>> -> memref<128xf32, #tpu.memory_space<hbm>>
    %dma_wait3A_517 = tpu.memref_slice %arg4[%add3A_431] : memref<16384xf32, #tpu.memory_space<hbm>> -> memref<128xf32, #tpu.memory_space<hbm>>
    %dma_wait3A_518 = arith.constant 128 : i32
    %dma_wait3A_519 = tpu.memref_slice %arg9[%dma_wait3A_518] : memref<512xf32, #tpu.memory_space<vmem>> -> memref<128xf32, #tpu.memory_space<vmem>>
    tpu.wait_dma2 semaphore(%arg12 : memref<!tpu.dma_semaphore, #tpu.memory_space<semaphore_mem>>) src(%dma_wait3A_519 : memref<128xf32, #tpu.memory_space<vmem>>) dst(%dma_wait3A_517 : memref<128xf32, #tpu.memory_space<hbm>>)
    %dma_wait3A_520 = arith.constant 256 : i32
    %dma_wait3A_521 = tpu.memref_slice %arg9[%dma_wait3A_520] : memref<512xf32, #tpu.memory_space<vmem>> -> memref<128xf32, #tpu.memory_space<vmem>>
    %dma_wait3A_522 = tpu.memref_slice %arg4[%add3A_466] : memref<16384xf32, #tpu.memory_space<hbm>> -> memref<128xf32, #tpu.memory_space<hbm>>
    %dma_wait3A_523 = tpu.memref_slice %arg4[%add3A_466] : memref<16384xf32, #tpu.memory_space<hbm>> -> memref<128xf32, #tpu.memory_space<hbm>>
    %dma_wait3A_524 = arith.constant 256 : i32
    %dma_wait3A_525 = tpu.memref_slice %arg9[%dma_wait3A_524] : memref<512xf32, #tpu.memory_space<vmem>> -> memref<128xf32, #tpu.memory_space<vmem>>
    tpu.wait_dma2 semaphore(%arg12 : memref<!tpu.dma_semaphore, #tpu.memory_space<semaphore_mem>>) src(%dma_wait3A_525 : memref<128xf32, #tpu.memory_space<vmem>>) dst(%dma_wait3A_523 : memref<128xf32, #tpu.memory_space<hbm>>)
    %dma_wait3A_526 = arith.constant 384 : i32
    %dma_wait3A_527 = tpu.memref_slice %arg9[%dma_wait3A_526] : memref<512xf32, #tpu.memory_space<vmem>> -> memref<128xf32, #tpu.memory_space<vmem>>
    %dma_wait3A_528 = tpu.memref_slice %arg4[%add3A_501] : memref<16384xf32, #tpu.memory_space<hbm>> -> memref<128xf32, #tpu.memory_space<hbm>>
    %dma_wait3A_529 = tpu.memref_slice %arg4[%add3A_501] : memref<16384xf32, #tpu.memory_space<hbm>> -> memref<128xf32, #tpu.memory_space<hbm>>
    %dma_wait3A_530 = arith.constant 384 : i32
    %dma_wait3A_531 = tpu.memref_slice %arg9[%dma_wait3A_530] : memref<512xf32, #tpu.memory_space<vmem>> -> memref<128xf32, #tpu.memory_space<vmem>>
    tpu.wait_dma2 semaphore(%arg12 : memref<!tpu.dma_semaphore, #tpu.memory_space<semaphore_mem>>) src(%dma_wait3A_531 : memref<128xf32, #tpu.memory_space<vmem>>) dst(%dma_wait3A_529 : memref<128xf32, #tpu.memory_space<hbm>>)
    return
  }
}

</mosaic_0001>

<sc_bundles>
// kernel: kernel.3.cloned.1.call-start
scs
__scs_entry_jumppad:
0x0: {  	(pc) =	sbr.rel $0x88, $3  }
0x1: {  	(tag) =	ssettag $0x0;
	lr =	simm.s32 $0x1  }
0x2: {  	[smem:$0x3F9F] =	sst lr;
	_ =	strace $0xD0000000  }
0x3: {  	_ = 	snop  }
0x4: {  	_ = 	snop  }
0x5: {  	_ = 	snop  }
0x6: {  	_ = 	snop  }
0x7: {  	_ = 	snop  }
__scs_overlays_trampoline_lowered:
0x8: {  	[smem:$0x3FAE] =	sst s0  }
0x9: {  	[smem:$0x3FAF] =	sst s1  }
0xa: {  	[smem:$0x3FB0] =	sst s2  }
0xb: {  	[smem:$0x3FB1] =	sst s3  }
0xc: {  	[smem:$0x3FB2] =	sst s4  }
0xd: {  	[smem:$0x3FB3] =	sst s5  }
0xe: {  	[smem:$0x3FB4] =	sst s6  }
0xf: {  	[smem:$0x3FB5] =	sst s7  }
0x10: {  	[smem:$0x3FB6] =	sst s8  }
0x11: {  	[smem:$0x3FB7] =	sst s9;
	s0 =	simm.s32 @!p0 $0x0  }
0x12: {  	s1 =	sld [smem:$0x3F9D];
	s0 =	simm.s32 @p0 $0x1  }
0x13: {  	[smem:$0x3FB8] =	sst s0;
	s0 =	simm.s32 @!p1 $0x0  }
0x14: {  	s2 =	sld [smem:$0x3F9C];
	s0 =	simm.s32 @p1 $0x1  }
0x15: {  	[smem:$0x3FB9] =	sst s0;
	s0 =	simm.s32 @!p2 $0x0  }
0x16: {  	s3 =	sld [smem:$0x3FDB];
	s0 =	simm.s32 @p2 $0x1  }
0x17: {  	s4 =	simm.s32 $0x1BF5;
	[smem:$0x3FBB] =	sst s0  }
0x18: {  	s0 =	sld [smem:$0x3F9E];
	_ =	swait.ge [sflag:s4], $0x0  }
0x19: {  	s7 =	sld [smem:$0x3F9F]  }
0x1a: {  	s8 =	sadd.s32 $0xFFFFE003, lr  }
0x1b: {  	s9 =	sadd.s32 $0xFFFFFEF7, lr;
	s5 =	simm.s32 $0xFFFFFFFF;
	p2 =	slt.u32 s8, $0xFFFFF086  }
0x1c: {  	p1 =	slt.u32 s9, $0xF7A;
	s5 =	simm.s32 @!p2 $0x0  }
0x1d: {  	s5 =	simm.s32 @p1 $0x1;
	p0 =	seq.s32 s7, s2  }
0x1e: {  	s7 =	smul.u32 @!p0 $0xF7A, s2;
	p2 =	seq.s32 @!p0 s5, $0x0  }
0x1f: {  	s9 =	smul.u32 $0xF7A, s1;
	s8 =	simm.s32 @!p0 $0x1BF5;
	p2 =	por !p2, p0  }
0x20: {  	[sflag:s8] =	ssyncset.s32 @!p0 $0xFFFFF086;
	s6 =	sadd.s32 @!p0 s3, s7;
	s7 =	simm.s32 @!p0 $0x108  }
0x21: {  	s3 =	sadd.s32 s3, s9;
	s6 =	sadd.s32 @!p0 $0x88, s6;
	s7 =	simm.s32 @p2 $0x1082  }
0x22: {  	[simem:s7], [sflag:s8] =	dma.local @!p0 [hbm:s6], $0xF7A  }
0x23: {  	s9 =	sor.u32 $0xD0000000, s2;
	s6 =	simm.s32 $0x108;
	_ =	swait.ge @!p0 [sflag:s8], $0x0  }
0x24: {  	s3 =	sadd.s32 $0x88, s3;
	s6 =	simm.s32 @!p1 $0x1082;
	[sflag:s4] =	ssyncset.s32 $0xFFFFF086  }
0x25: {  	[simem:s6], [sflag:s4] =	dma.local [hbm:s3], $0xF7A  }
0x26: {  	[smem:$0x3F9F] =	sst s1;
	(tag) =	ssettag s2;
	_ =	strace s9  }
0x27: {  	s1 =	sld [smem:$0x3FAF]  }
0x28: {  	s2 =	sld [smem:$0x3FB0]  }
0x29: {  	s4 =	sld [smem:$0x3FB2]  }
0x2a: {  	p0 =	seq.s32 s5, $0x0;
	s5 =	sld [smem:$0x3FB3]  }
0x2b: {  	s6 =	sld [smem:$0x3FB4]  }
0x2c: {  	s7 =	sld [smem:$0x3FB5]  }
0x2d: {  	s3 =	simm.s32 $0x108;
	s8 =	sld [smem:$0x3FB6]  }
0x2e: {  	s3 =	simm.s32 @!p0 $0x1082;
	s9 =	sld [smem:$0x3FB7]  }
0x2f: {  	lr =	sadd.s32 s0, s3;
	s0 =	sld [smem:$0x3FAE]  }
0x30: {  	s3 =	sld [smem:$0x3FB1]  }
0x31: {  	[smem:$0x3FBA] =	sst s10  }
0x32: {  	s10 =	sld [smem:$0x3FB8];
	_ =	sdelay $0x3  }
0x33: {  	p0 =	seq.s32 s10, $0x1;
	s10 =	sld [smem:$0x3FBA];
	_ =	sdelay $0x3  }
0x34: {  	[smem:$0x3FBA] =	sst s10  }
0x35: {  	s10 =	sld [smem:$0x3FB9];
	_ =	sdelay $0x3  }
0x36: {  	p1 =	seq.s32 s10, $0x1;
	s10 =	sld [smem:$0x3FBA];
	_ =	sdelay $0x3  }
0x37: {  	[smem:$0x3FBA] =	sst s10  }
0x38: {  	s10 =	sld [smem:$0x3FBB]  }
0x39: {  	_ = 	snop;
	(pc) =	sbr.ind lr, $3  }
0x3a: {  	_ = 	snop  }
0x3b: {  	_ = 	snop  }
0x3c: {  	p2 =	seq.s32 s10, $0x1;
	s10 =	sld [smem:$0x3FBA]  }
0x3d: {  	_ =	shalt  }
0x3e: {  	_ =	shalt  }
0x3f: {  	_ =	shalt  }
0x40: {  	_ =	shalt  }
0x41: {  	_ =	shalt  }
0x42: {  	_ =	shalt  }
0x43: {  	_ =	shalt  }
0x44: {  	_ =	shalt  }
0x45: {  	_ =	shalt  }
0x46: {  	_ =	shalt  }
0x47: {  	_ =	shalt  }
0x48: {  	_ =	shalt  }
0x49: {  	_ =	shalt  }
0x4a: {  	_ =	shalt  }
0x4b: {  	_ =	shalt  }
0x4c: {  	_ =	shalt  }
0x4d: {  	_ =	shalt  }
0x4e: {  	_ =	shalt  }
0x4f: {  	_ =	shalt  }
0x50: {  	_ =	shalt  }
0x51: {  	_ =	shalt  }
0x52: {  	_ =	shalt  }
0x53: {  	_ =	shalt  }
0x54: {  	_ =	shalt  }
0x55: {  	_ =	shalt  }
0x56: {  	_ =	shalt  }
0x57: {  	_ =	shalt  }
0x58: {  	_ =	shalt  }
0x59: {  	_ =	shalt  }
0x5a: {  	_ =	shalt  }
0x5b: {  	_ =	shalt  }
0x5c: {  	_ =	shalt  }
0x5d: {  	_ =	shalt  }
0x5e: {  	_ =	shalt  }
0x5f: {  	_ =	shalt  }
0x60: {  	_ =	shalt  }
0x61: {  	_ =	shalt  }
0x62: {  	_ =	shalt  }
0x63: {  	_ =	shalt  }
0x64: {  	_ =	shalt  }
0x65: {  	_ =	shalt  }
0x66: {  	_ =	shalt  }
0x67: {  	_ =	shalt  }
0x68: {  	_ =	shalt  }
0x69: {  	_ =	shalt  }
0x6a: {  	_ =	shalt  }
0x6b: {  	_ =	shalt  }
0x6c: {  	_ =	shalt  }
0x6d: {  	_ =	shalt  }
0x6e: {  	_ =	shalt  }
0x6f: {  	_ =	shalt  }
0x70: {  	_ =	shalt  }
0x71: {  	_ =	shalt  }
0x72: {  	_ =	shalt  }
0x73: {  	_ =	shalt  }
0x74: {  	_ =	shalt  }
0x75: {  	_ =	shalt  }
0x76: {  	_ =	shalt  }
0x77: {  	_ =	shalt  }
0x78: {  	_ =	shalt  }
0x79: {  	_ =	shalt  }
0x7a: {  	_ =	shalt  }
0x7b: {  	_ =	shalt  }
0x7c: {  	_ =	shalt  }
0x7d: {  	_ =	shalt  }
0x7e: {  	_ =	shalt  }
0x7f: {  	_ =	shalt  }
0x80: {  	_ =	shalt  }
0x81: {  	_ =	shalt  }
0x82: {  	_ =	shalt  }
0x83: {  	_ =	shalt  }
0x84: {  	_ =	shalt  }
0x85: {  	_ =	shalt  }
0x86: {  	_ =	shalt  }
0x87: {  	_ =	shalt  }
.Lfunc_end0:
.L_simem_size_0:
called_computation_lowered:
.L_overlay_start_0:
0x88: {  	s2 =	sld [smem:$0x3FD9]  }
0x89: {  	s3 =	sld [smem:$0x3FFE];
	_ =	sdelay $0x1  }
0x8a: {  	s1 =	srdreg.scid  }
0x8b: {  	s0 =	sand.u32 $0x1, s1  }
0x8c: {  	s18 =	sshll.u32 s0, $0xA;
	s2 =	sadd.s32 s3, s2  }
0x8d: {  	s2 =	sadd.s32 s2, s18  }
0x8e: {  	[smem:$0x3FC6] =	sst s2  }
0x8f: {  	_ = 	snop  }
0x90: {  	s2 =	sld [smem:$0x3FC9]  }
0x91: {  	s19 =	sld [smem:$0x3FC8]  }
0x92: {  	s4 =	sld [smem:$0x3FD0];
	(tm) =	ssettm $0x1  }
0x93: {  	s5 =	sld [smem:$0x3FFB];
	_ =	sdelay $0x3  }
0x94: {  	_ =	strace s5  }
0x95: {  	s5 =	sld [smem:$0x3FFC];
	_ =	sdelay $0x3  }
0x96: {  	_ =	strace s5  }
0x97: {  	s5 =	sld [smem:$0x3FFD];
	_ =	sdelay $0x3  }
0x98: {  	_ =	strace s5  }
0x99: {  	_ =	strace $0x8FFFFFFF  }
0x9a: {  	s20 =	sld [smem:$0x3FDB];
	_ =	sdelay $0x1  }
0x9b: {  	s6 =	simm.s32 $_scs_section_size  }
0x9c: {  	s7 =	simm.s32 $_size__tile_overlayer_lowered;
	s8 =	simm.s32 $_tile_overlayer_lowered  }
0x9d: {  	s23 =	simm.s32 $0x1BFF;
	s22 =	sshll.u32 s8, $0x1;
	s5 =	sadd.s32 s6, s20  }
0x9e: {  	s9 =	simm.s32 $0x0;
	s21 =	sshll.u32 s7, $0x1;
	s7 =	sadd.s32 s22, s5  }
0x9f: {  	[timem:s9], [sflag:s23] =	dma.local [hbm:s7], s21  }
0xa0: {  	_ =	swait.ge [sflag:s23], s21  }
0xa1: {  	s6 =	ssub.s32 $0x0, s21;
	[sflag:s23] =	ssyncset.done $0x0  }
0xa2: {  	[sflag:s23] =	ssyncadd.s32 s6;
	_ =	sdelay $0x1  }
0xa3: {  	s24 =	simm.s32 $0x1B8B  }
0xa4: {  	_ =	swait.ge [sflag:s24], $0x1  }
0xa5: {  	[sflag:s24] =	ssyncset.done $0x0  }
0xa6: {  	s25 =	simm.s32 $0x1B8E;
	[sflag:s24] =	ssyncadd.s32 $0xFFFFFFFF  }
0xa7: {  	s26 =	simm.s32 $execute0_lowered;
	[smem:$0x3FD2] =	sst s25  }
0xa8: {  	s6 =	sshll.u32 s26, $0x1;
	_ =	strace $0x80000046;
	[dreg:$0x1] =	wrdreg $0xFFFFFFFF  }
0xa9: {  	s28 =	simm.s32 $_size_execute0_lowered;
	s5 =	sadd.s32 s5, s6;
	[dreg:$0x0] =	wrdreg $0x0  }
0xaa: {  	s6 =	sshll.u32 s28, $0x1;
	[dreg:$0x2] =	wrdreg s5  }
0xab: {  	[dreg:$0x3] =	wrdreg s6  }
0xac: {  	[dreg:$0x4] =	wrdreg $0xC0  }
0xad: {  	_ =	task [dreg:s9], $0x5FFFF  }
0xae: {  	[dreg:$0x1] =	wrdreg $0xFFFFFFFF  }
0xaf: {  	[dreg:$0x0] =	wrdreg $0x60  }
0xb0: {  	[dreg:$0x2] =	wrdreg s2  }
0xb1: {  	[dreg:$0x3] =	wrdreg s19  }
0xb2: {  	[dreg:$0x4] =	wrdreg s4  }
0xb3: {  	[dreg:$0x5] =	wrdreg $0x9  }
0xb4: {  	_ =	task.clear_ibuf [dreg:s9], $0x6FFFF;
	_ =	strace $0x90000046  }
0xb5: {  	s29 =	simm.s32 $0x9;
	_ =	strace $0x80000048  }
0xb6: {  	_ =	swait.ge [sflag:s29], $0x1  }
0xb7: {  	[sflag:s29] =	ssyncadd.s32 $0xFFFFFFFF  }
0xb8: {  	_ =	strace $0x90000048  }
0xb9: {  	_ =	sfence  }
0xba: {  	s30 =	sld [smem:$0x0];
	_ =	sdelay $0x2  }
0xbb: {  	s31 =	sshll.u32 s1, $0xD;
	s1 =	sshrl.u32 s1, $0x2  }
0xbc: {  	s3 =	sand.u32 $0x4000, s31;
	s1 =	sadd.s32 s1, s30  }
0xbd: {  	s0 =	sor.u32 s3, s0;
	s1 =	sshll.u32 s1, $0x11  }
0xbe: {  	s0 =	sor.u32 s1, s0  }
0xbf: {  	s0 =	sadd.s32 $0x8F2B, s0  }
0xc0: {  	[sflag:s0] =	ssyncadd.remote.s32 $0x1  }
0xc1: {  	_ =	sfence.sel $0xFFFF  }
0xc2: {  	[dreg:$0x0] =	wrdreg $0xFFFFFFFF;
	(pc) =	sbr.abs _section_cstart, $3  }
0xc3: {  	[dreg:$0x1] =	wrdreg $0xFFFFFFFF  }
0xc4: {  	_ =	task.clear_ibuf [dreg:s9], $0x2FFFF;
	_ =	strace $0x9FFFFFFF  }
0xc5: {  	(tm) =	ssettm $0x7FFFFFFF  }
tec
execute0_lowered:
.L_overlay_start_1:
0x0: {  	(tag) =	ssettag $0x1  }
0x1: {  	s1 =	rddreg [dreg:$0x0];
	s3 =	srdreg.scid  }
0x2: {  	s2 =	rddreg [dreg:$0x1];
	s0 =	stileid.u32  }
0x3: {  	s5 =	rddreg [dreg:$0x2];
	s18 =	simm.s32 $0x400;
	s19 =	simm.s32 $0x600  }
0x4: {  	s20 =	simm.s32 $0x480;
	s21 =	simm.s32 $0x680;
	s28 =	simm.s32 $0x900  }
0x5: {  	s29 =	simm.s32 $0xC;
	s4 =	sand.u32 $0x1, s3;
	s3 =	simm.s32 $0x0  }
0x6: {  	s30 =	simm.s32 $0x10;
	s31 =	simm.s32 $0x980;
	[smem:$0x7FF] =	sst s3  }
0x7: {  	s6 =	sshll.u32 s0, $0xA;
	_ =	strace $0x80000047;
	[dreg:$0x10] =	wrdreg s18  }
0x8: {  	s7 =	sshll.u32 s4, $0x9;
	s4 =	ssub.s32 $0x2, s4;
	[dreg:$0x11] =	wrdreg s19  }
0x9: {  	s6 =	sor.u32 s7, s6;
	s26 =	sshrl.u32 s4, $0x1;
	[dreg:$0x12] =	wrdreg s20  }
0xa: {  	[dreg:$0x13] =	wrdreg s21;
	s18 =	simm.s32 $0x4;
	s19 =	simm.s32 $0x8  }
0xb: {  	s20 =	simm.s32 $0x9;
	s21 =	simm.s32 $0xD;
	s7 =	sshrl.u32 s6, $0x2  }
0xc: {  	s8 =	sshrl.u32 s6, $0x7;
	s6 =	sshrl.u32 s6, $0x3;
	s4 =	ssub.s32 s4, s26  }
0xd: {  	s26 =	simm.s32 $0x800;
	s9 =	sadd.s32 s1, s7;
	s10 =	sor.u32 $0x1, s8  }
0xe: {  	s11 =	sor.u32 $0x2, s8;
	s8 =	sor.u32 $0x3, s8;
	[dreg:$0x18] =	wrdreg s26  }
0xf: {  	s4 =	smax.u32 s4, $0x1;
	s26 =	simm.s32 $0xF;
	[dreg:$0x4] =	wrdreg s9  }
0x10: {  	s22 =	sshll.u32 s10, $0x5;
	s13 =	sshll.u32 s11, $0x5;
	s14 =	sshll.u32 s8, $0x5  }
0x11: {  	s16 =	sshll.u32 s8, $0x4;
	s8 =	simm.s32 $0x200;
	s12 =	sadd.s32 s1, s22  }
0x12: {  	s9 =	simm.s32 $0x280;
	s23 =	sadd.s32 s1, s13;
	[dreg:$0x5] =	wrdreg s12  }
0x13: {  	s24 =	sadd.s32 s1, s14;
	s1 =	sadd.s32 $0x10, s1;
	[dreg:$0x6] =	wrdreg s23  }
0x14: {  	s17 =	sadd.s32 s5, s16;
	s16 =	simm.s32 $0x3;
	[dreg:$0x7] =	wrdreg s24  }
0x15: {  	s7 =	sadd.s32 s7, s1;
	s25 =	sadd.s32 s22, s1;
	s0 =	sadd.s32 s13, s1  }
0x16: {  	s1 =	sadd.s32 s14, s1;
	s12 =	sshll.u32 s10, $0x4;
	[dreg:$0xf] =	wrdreg s17  }
0x17: {  	s14 =	sshll.u32 s11, $0x4;
	s10 =	simm.s32 $0x300;
	[dreg:$0x8] =	wrdreg s7  }
0x18: {  	s11 =	simm.s32 $0x380;
	s22 =	simm.s32 $0x500;
	[dreg:$0x9] =	wrdreg s25  }
0x19: {  	s17 =	simm.s32 $0x7;
	s23 =	simm.s32 $0x700;
	[dreg:$0xa] =	wrdreg s0  }
0x1a: {  	s24 =	simm.s32 $0x580;
	[dreg:$0xb] =	wrdreg s1;
	s7 =	sadd.s32 s5, s6  }
0x1b: {  	s13 =	sadd.s32 s5, s12;
	s15 =	sadd.s32 s5, s14;
	[dreg:$0x14] =	wrdreg s22  }
0x1c: {  	s5 =	simm.s32 $0x80;
	s6 =	simm.s32 $0x100;
	[dreg:$0x15] =	wrdreg s23  }
0x1d: {  	s12 =	simm.s32 $0x1;
	s14 =	simm.s32 $0x2;
	[dreg:$0x16] =	wrdreg s24  }
0x1e: {  	s25 =	simm.s32 $0x780;
	s22 =	simm.s32 $0xA;
	[dreg:$0xc] =	wrdreg s7  }
0x1f: {  	s23 =	simm.s32 $0xE;
	s1 =	simm.s32 $0x11;
	[dreg:$0xd] =	wrdreg s13  }
0x20: {  	[dreg:$0xe] =	wrdreg s15;
	s7 =	simm.s32 $0x180;
	s13 =	simm.s32 $0x5  }
0x21: {  	s15 =	simm.s32 $0x6;
	[dreg:$0x17] =	wrdreg s25;
	s25 =	simm.s32 $0xB  }
.LBB2_1:
0x22: {  	s0 =	rddreg [dreg:$0x4]  }
0x23: {  	[tilespmem:s3], [sflag:$0x1] =	stream.linear.gather [hbm4b:s0+s3], $0x80, $0x38;
	[tilespmem:$0xA00] =	vst v63  }
0x24: {  	s24 =	rddreg [dreg:$0x5]  }
0x25: {  	[tilespmem:s5], [sflag:$0x2] =	stream.linear.gather [hbm4b:s24+s3], $0x80, $0x38;
	[tilespmem:$0xA00] =	vst v63  }
0x26: {  	s0 =	rddreg [dreg:$0x6]  }
0x27: {  	[tilespmem:s6], [sflag:$0x3] =	stream.linear.gather [hbm4b:s0+s3], $0x80, $0x38;
	[tilespmem:$0xA00] =	vst v63  }
0x28: {  	s24 =	rddreg [dreg:$0x7]  }
0x29: {  	[tilespmem:s7], [sflag:$0x4] =	stream.linear.gather [hbm4b:s24+s3], $0x80, $0x38;
	[tilespmem:$0xA00] =	vst v63  }
0x2a: {  	s0 =	rddreg [dreg:$0x8]  }
0x2b: {  	[tilespmem:s8], [sflag:$0x5] =	stream.linear.gather [hbm4b:s0+s3], $0x80, $0x38;
	[tilespmem:$0xA00] =	vst v63  }
0x2c: {  	s24 =	rddreg [dreg:$0x9]  }
0x2d: {  	[tilespmem:s9], [sflag:$0x6] =	stream.linear.gather [hbm4b:s24+s3], $0x80, $0x38;
	[tilespmem:$0xA00] =	vst v63  }
0x2e: {  	s0 =	rddreg [dreg:$0xa]  }
0x2f: {  	[tilespmem:s10], [sflag:$0x7] =	stream.linear.gather [hbm4b:s0+s3], $0x80, $0x38;
	[tilespmem:$0xA00] =	vst v63  }
0x30: {  	s24 =	rddreg [dreg:$0xb]  }
0x31: {  	[tilespmem:s11], [sflag:$0x8] =	stream.linear.gather [hbm4b:s24+s3], $0x80, $0x38;
	[tilespmem:$0xA00] =	vst v63  }
0x32: {  	_ =	swait.ge [sflag:s12], $0x80  }
0x33: {  	[sflag:s12] =	ssyncset.done $0x0  }
0x34: {  	s24 =	rddreg [dreg:$0x10];
	[sflag:s12] =	ssyncadd.s32 $0xFFFFFF80  }
0x35: {  	[tilespmem:s24], [sflag:$0x9] =	stream.indirect.gather [hbm4b:s2+s5], $0x1, s3, s5, $0xb8;
	[tilespmem:$0xA00] =	vst v63  }
0x36: {  	_ =	swait.ge [sflag:s13], $0x80  }
0x37: {  	[sflag:s13] =	ssyncset.done $0x0  }
0x38: {  	s24 =	rddreg [dreg:$0x11];
	[sflag:s13] =	ssyncadd.s32 $0xFFFFFF80  }
0x39: {  	[tilespmem:s24], [sflag:$0xD] =	stream.indirect.gather [hbm4b:s2+s5], $0x1, s8, s5, $0xb8;
	[tilespmem:$0xA00] =	vst v63  }
0x3a: {  	_ =	swait.ge [sflag:s14], $0x80  }
0x3b: {  	[sflag:s14] =	ssyncset.done $0x0  }
0x3c: {  	s24 =	rddreg [dreg:$0x12];
	[sflag:s14] =	ssyncadd.s32 $0xFFFFFF80  }
0x3d: {  	[tilespmem:s24], [sflag:$0xA] =	stream.indirect.gather [hbm4b:s2+s5], $0x1, s5, s5, $0xb8;
	[tilespmem:$0xA00] =	vst v63  }
0x3e: {  	_ =	swait.ge [sflag:s15], $0x80  }
0x3f: {  	[sflag:s15] =	ssyncset.done $0x0  }
0x40: {  	s24 =	rddreg [dreg:$0x13];
	[sflag:s15] =	ssyncadd.s32 $0xFFFFFF80  }
0x41: {  	[tilespmem:s24], [sflag:$0xE] =	stream.indirect.gather [hbm4b:s2+s5], $0x1, s9, s5, $0xb8;
	[tilespmem:$0xA00] =	vst v63  }
0x42: {  	_ =	swait.ge [sflag:s16], $0x80  }
0x43: {  	[sflag:s16] =	ssyncset.done $0x0  }
0x44: {  	s24 =	rddreg [dreg:$0x14];
	[sflag:s16] =	ssyncadd.s32 $0xFFFFFF80  }
0x45: {  	[tilespmem:s24], [sflag:$0xB] =	stream.indirect.gather [hbm4b:s2+s5], $0x1, s6, s5, $0xb8;
	[tilespmem:$0xA00] =	vst v63  }
0x46: {  	_ =	swait.ge [sflag:s17], $0x80  }
0x47: {  	[sflag:s17] =	ssyncset.done $0x0  }
0x48: {  	s24 =	rddreg [dreg:$0x15];
	[sflag:s17] =	ssyncadd.s32 $0xFFFFFF80  }
0x49: {  	[tilespmem:s24], [sflag:$0xF] =	stream.indirect.gather [hbm4b:s2+s5], $0x1, s10, s5, $0xb8;
	[tilespmem:$0xA00] =	vst v63  }
0x4a: {  	_ =	swait.ge [sflag:s18], $0x80  }
0x4b: {  	[sflag:s18] =	ssyncset.done $0x0  }
0x4c: {  	s24 =	rddreg [dreg:$0x16];
	[sflag:s18] =	ssyncadd.s32 $0xFFFFFF80  }
0x4d: {  	[tilespmem:s24], [sflag:$0xC] =	stream.indirect.gather [hbm4b:s2+s5], $0x1, s7, s5, $0xb8;
	[tilespmem:$0xA00] =	vst v63  }
0x4e: {  	_ =	swait.ge [sflag:s19], $0x80  }
0x4f: {  	[sflag:s19] =	ssyncset.done $0x0  }
0x50: {  	s24 =	rddreg [dreg:$0x17];
	[sflag:s19] =	ssyncadd.s32 $0xFFFFFF80  }
0x51: {  	[tilespmem:s24], [sflag:$0x10] =	stream.indirect.gather [hbm4b:s2+s5], $0x1, s11, s5, $0xb8;
	[tilespmem:$0xA00] =	vst v63  }
0x52: {  	_ =	swait.ge [sflag:s20], $0x80  }
0x53: {  	[sflag:s20] =	ssyncset.done $0x0  }
0x54: {  	[sflag:s20] =	ssyncadd.s32 $0xFFFFFF80  }
0x55: {  	_ =	swait.ge [sflag:s21], $0x80  }
0x56: {  	[sflag:s21] =	ssyncset.done $0x0  }
0x57: {  	[sflag:s21] =	ssyncadd.s32 $0xFFFFFF80  }
0x58: {  	v0 =	vld [tilespmem:$0x400]  }
0x59: {  	v1 =	vld [tilespmem:$0x600]  }
0x5a: {  	v2 =	vld [tilespmem:$0x410]  }
0x5b: {  	v3 =	vld [tilespmem:$0x610]  }
0x5c: {  	v4 =	vld [tilespmem:$0x420]  }
0x5d: {  	v5 =	vld [tilespmem:$0x620]  }
0x5e: {  	v6 =	vld [tilespmem:$0x430]  }
0x5f: {  	v7 =	vld [tilespmem:$0x630]  }
0x60: {  	v8 =	vld [tilespmem:$0x440]  }
0x61: {  	v9 =	vld [tilespmem:$0x640]  }
0x62: {  	v10 =	vld [tilespmem:$0x450]  }
0x63: {  	v11 =	vld [tilespmem:$0x650]  }
0x64: {  	v12 =	vld [tilespmem:$0x460]  }
0x65: {  	v13 =	vld [tilespmem:$0x660];
	v1 =	vadd.f32 v1, v0  }
0x66: {  	v14 =	vld [tilespmem:$0x470];
	v3 =	vadd.f32 v3, v2  }
0x67: {  	v38 =	vld [tilespmem:$0x670];
	v37 =	vadd.f32 v5, v4;
	(erf) = vrcp.f32 v1  }
0x68: {  	v39 =	vadd.f32 v7, v6;
	(erf) = vrcp.f32 v3  }
0x69: {  	v40 =	vadd.f32 v9, v8;
	(erf) = vrcp.f32 v37  }
0x6a: {  	v41 =	vadd.f32 v11, v10;
	(erf) = vrcp.f32 v39  }
0x6b: {  	v42 =	vadd.f32 v13, v12;
	(erf) = vrcp.f32 v40  }
0x6c: {  	v43 =	vadd.f32 v38, v14;
	(erf) = vrcp.f32 v41  }
0x6d: {  	(erf) = vrcp.f32 v42  }
0x6e: {  	(erf) = vrcp.f32 v43;
	_ =	sdelay $0x1  }
0x6f: {  	v44 =	vpop (erf)  }
0x70: {  	v0 =	vmul.f32 v44, v0;
	v45 =	vpop (erf)  }
0x71: {  	v1 =	vmul.f32 v45, v2;
	v46 =	vpop (erf)  }
0x72: {  	[tilespmem:$0x800] =	vst v0;
	v47 =	vmul.f32 v46, v4;
	v48 =	vpop (erf)  }
0x73: {  	[tilespmem:$0x810] =	vst v1;
	v49 =	vmul.f32 v48, v6;
	v50 =	vpop (erf)  }
0x74: {  	[tilespmem:$0x820] =	vst v47;
	v51 =	vmul.f32 v50, v8;
	v52 =	vpop (erf)  }
0x75: {  	[tilespmem:$0x830] =	vst v49;
	v53 =	vmul.f32 v52, v10;
	v54 =	vpop (erf)  }
0x76: {  	[tilespmem:$0x840] =	vst v51;
	v55 =	vmul.f32 v54, v12;
	v56 =	vpop (erf)  }
0x77: {  	[tilespmem:$0x850] =	vst v53;
	v57 =	vmul.f32 v56, v14  }
0x78: {  	s0 =	rddreg [dreg:$0xc];
	[tilespmem:$0x860] =	vst v55  }
0x79: {  	s24 =	rddreg [dreg:$0x18];
	[tilespmem:$0x870] =	vst v57  }
0x7a: {  	[hbm4b:s0+s3] =	stream.linear.scatter [tilespmem:s24], [sflag:$0x11], $0x80, $0x38;
	[tilespmem:$0xA00] =	vst v63  }
0x7b: {  	_ =	swait.ge [sflag:s22], $0x80  }
0x7c: {  	[sflag:s22] =	ssyncset.done $0x0  }
0x7d: {  	[sflag:s22] =	ssyncadd.s32 $0xFFFFFF80  }
0x7e: {  	_ =	swait.ge [sflag:s23], $0x80  }
0x7f: {  	[sflag:s23] =	ssyncset.done $0x0  }
0x80: {  	[sflag:s23] =	ssyncadd.s32 $0xFFFFFF80  }
0x81: {  	v58 =	vld [tilespmem:$0x480]  }
0x82: {  	v59 =	vld [tilespmem:$0x680]  }
0x83: {  	v60 =	vld [tilespmem:$0x490]  }
0x84: {  	v61 =	vld [tilespmem:$0x690]  }
0x85: {  	v62 =	vld [tilespmem:$0x4A0]  }
0x86: {  	v63 =	vld [tilespmem:$0x6A0]  }
0x87: {  	v16 =	vld [tilespmem:$0x4B0]  }
0x88: {  	v17 =	vld [tilespmem:$0x6B0]  }
0x89: {  	v18 =	vld [tilespmem:$0x4C0]  }
0x8a: {  	v19 =	vld [tilespmem:$0x6C0]  }
0x8b: {  	v20 =	vld [tilespmem:$0x4D0]  }
0x8c: {  	v21 =	vld [tilespmem:$0x6D0]  }
0x8d: {  	v22 =	vld [tilespmem:$0x4E0]  }
0x8e: {  	v23 =	vld [tilespmem:$0x6E0];
	v1 =	vadd.f32 v59, v58  }
0x8f: {  	v24 =	vld [tilespmem:$0x4F0];
	v3 =	vadd.f32 v61, v60  }
0x90: {  	v26 =	vld [tilespmem:$0x6F0];
	v25 =	vadd.f32 v63, v62;
	(erf) = vrcp.f32 v1  }
0x91: {  	v27 =	vadd.f32 v17, v16;
	(erf) = vrcp.f32 v3  }
0x92: {  	v28 =	vadd.f32 v19, v18;
	(erf) = vrcp.f32 v25  }
0x93: {  	v29 =	vadd.f32 v21, v20;
	(erf) = vrcp.f32 v27  }
0x94: {  	v30 =	vadd.f32 v23, v22;
	(erf) = vrcp.f32 v28  }
0x95: {  	v31 =	vadd.f32 v26, v24;
	(erf) = vrcp.f32 v29  }
0x96: {  	(erf) = vrcp.f32 v30  }
0x97: {  	(erf) = vrcp.f32 v31;
	_ =	sdelay $0x1  }
0x98: {  	v32 =	vpop (erf)  }
0x99: {  	v0 =	vmul.f32 v32, v58;
	v33 =	vpop (erf)  }
0x9a: {  	v1 =	vmul.f32 v33, v60;
	v34 =	vpop (erf)  }
0x9b: {  	[tilespmem:$0x880] =	vst v0;
	v35 =	vmul.f32 v34, v62;
	v36 =	vpop (erf)  }
0x9c: {  	[tilespmem:$0x890] =	vst v1;
	v37 =	vmul.f32 v36, v16;
	v38 =	vpop (erf)  }
0x9d: {  	[tilespmem:$0x8A0] =	vst v35;
	v39 =	vmul.f32 v38, v18;
	v40 =	vpop (erf)  }
0x9e: {  	[tilespmem:$0x8B0] =	vst v37;
	v41 =	vmul.f32 v40, v20;
	v42 =	vpop (erf)  }
0x9f: {  	[tilespmem:$0x8C0] =	vst v39;
	v43 =	vmul.f32 v42, v22;
	v44 =	vpop (erf)  }
0xa0: {  	[tilespmem:$0x8D0] =	vst v41;
	v45 =	vmul.f32 v44, v24  }
0xa1: {  	[tilespmem:$0x8E0] =	vst v43  }
0xa2: {  	s24 =	simm.s32 $0x880;
	s0 =	rddreg [dreg:$0xd];
	[tilespmem:$0x8F0] =	vst v45  }
0xa3: {  	[hbm4b:s0+s3] =	stream.linear.scatter [tilespmem:s24], [sflag:$0x11], $0x80, $0x38;
	[tilespmem:$0xA00] =	vst v63  }
0xa4: {  	_ =	swait.ge [sflag:s25], $0x80  }
0xa5: {  	[sflag:s25] =	ssyncset.done $0x0  }
0xa6: {  	[sflag:s25] =	ssyncadd.s32 $0xFFFFFF80  }
0xa7: {  	_ =	swait.ge [sflag:s26], $0x80  }
0xa8: {  	[sflag:s26] =	ssyncset.done $0x0  }
0xa9: {  	[sflag:s26] =	ssyncadd.s32 $0xFFFFFF80  }
0xaa: {  	v46 =	vld [tilespmem:$0x500]  }
0xab: {  	v47 =	vld [tilespmem:$0x700]  }
0xac: {  	v48 =	vld [tilespmem:$0x510]  }
0xad: {  	v49 =	vld [tilespmem:$0x710]  }
0xae: {  	v50 =	vld [tilespmem:$0x520]  }
0xaf: {  	v51 =	vld [tilespmem:$0x720]  }
0xb0: {  	v52 =	vld [tilespmem:$0x530]  }
0xb1: {  	v53 =	vld [tilespmem:$0x730]  }
0xb2: {  	v54 =	vld [tilespmem:$0x540]  }
0xb3: {  	v55 =	vld [tilespmem:$0x740]  }
0xb4: {  	v56 =	vld [tilespmem:$0x550]  }
0xb5: {  	v57 =	vld [tilespmem:$0x750]  }
0xb6: {  	v58 =	vld [tilespmem:$0x560]  }
0xb7: {  	v59 =	vld [tilespmem:$0x760];
	v1 =	vadd.f32 v47, v46  }
0xb8: {  	v60 =	vld [tilespmem:$0x570];
	v3 =	vadd.f32 v49, v48  }
0xb9: {  	v62 =	vld [tilespmem:$0x770];
	v61 =	vadd.f32 v51, v50;
	(erf) = vrcp.f32 v1  }
0xba: {  	v63 =	vadd.f32 v53, v52;
	(erf) = vrcp.f32 v3  }
0xbb: {  	v7 =	vadd.f32 v55, v54;
	(erf) = vrcp.f32 v61  }
0xbc: {  	v9 =	vadd.f32 v57, v56;
	(erf) = vrcp.f32 v63  }
0xbd: {  	v11 =	vadd.f32 v59, v58;
	(erf) = vrcp.f32 v7  }
0xbe: {  	v13 =	vadd.f32 v62, v60;
	(erf) = vrcp.f32 v9  }
0xbf: {  	(erf) = vrcp.f32 v11  }
0xc0: {  	(erf) = vrcp.f32 v13;
	_ =	sdelay $0x1  }
0xc1: {  	v15 =	vpop (erf)  }
0xc2: {  	v0 =	vmul.f32 v15, v46;
	v16 =	vpop (erf)  }
0xc3: {  	v1 =	vmul.f32 v16, v48;
	v17 =	vpop (erf)  }
0xc4: {  	[tilespmem:$0x900] =	vst v0;
	v18 =	vmul.f32 v17, v50;
	v19 =	vpop (erf)  }
0xc5: {  	[tilespmem:$0x910] =	vst v1;
	v20 =	vmul.f32 v19, v52;
	v21 =	vpop (erf)  }
0xc6: {  	[tilespmem:$0x920] =	vst v18;
	v22 =	vmul.f32 v21, v54;
	v23 =	vpop (erf)  }
0xc7: {  	[tilespmem:$0x930] =	vst v20;
	v24 =	vmul.f32 v23, v56;
	v25 =	vpop (erf)  }
0xc8: {  	[tilespmem:$0x940] =	vst v22;
	v26 =	vmul.f32 v25, v58;
	v27 =	vpop (erf)  }
0xc9: {  	[tilespmem:$0x950] =	vst v24;
	v28 =	vmul.f32 v27, v60  }
0xca: {  	[tilespmem:$0x960] =	vst v26  }
0xcb: {  	s24 =	rddreg [dreg:$0xe];
	[tilespmem:$0x970] =	vst v28  }
0xcc: {  	[hbm4b:s24+s3] =	stream.linear.scatter [tilespmem:s28], [sflag:$0x11], $0x80, $0x38;
	[tilespmem:$0xA00] =	vst v63  }
0xcd: {  	_ =	swait.ge [sflag:s29], $0x80  }
0xce: {  	[sflag:s29] =	ssyncset.done $0x0  }
0xcf: {  	[sflag:s29] =	ssyncadd.s32 $0xFFFFFF80  }
0xd0: {  	_ =	swait.ge [sflag:s30], $0x80  }
0xd1: {  	[sflag:s30] =	ssyncset.done $0x0  }
0xd2: {  	[sflag:s30] =	ssyncadd.s32 $0xFFFFFF80  }
0xd3: {  	v29 =	vld [tilespmem:$0x580]  }
0xd4: {  	v30 =	vld [tilespmem:$0x780]  }
0xd5: {  	v31 =	vld [tilespmem:$0x590]  }
0xd6: {  	v32 =	vld [tilespmem:$0x790]  }
0xd7: {  	v33 =	vld [tilespmem:$0x5A0]  }
0xd8: {  	v34 =	vld [tilespmem:$0x7A0]  }
0xd9: {  	v35 =	vld [tilespmem:$0x5B0]  }
0xda: {  	v36 =	vld [tilespmem:$0x7B0]  }
0xdb: {  	v37 =	vld [tilespmem:$0x5C0]  }
0xdc: {  	v38 =	vld [tilespmem:$0x7C0]  }
0xdd: {  	v39 =	vld [tilespmem:$0x5D0]  }
0xde: {  	v40 =	vld [tilespmem:$0x7D0]  }
0xdf: {  	v41 =	vld [tilespmem:$0x5E0]  }
0xe0: {  	v42 =	vld [tilespmem:$0x7E0];
	v1 =	vadd.f32 v30, v29  }
0xe1: {  	v43 =	vld [tilespmem:$0x5F0];
	v3 =	vadd.f32 v32, v31  }
0xe2: {  	v45 =	vld [tilespmem:$0x7F0];
	v44 =	vadd.f32 v34, v33;
	(erf) = vrcp.f32 v1  }
0xe3: {  	v46 =	vadd.f32 v36, v35;
	(erf) = vrcp.f32 v3  }
0xe4: {  	v47 =	vadd.f32 v38, v37;
	(erf) = vrcp.f32 v44  }
0xe5: {  	v48 =	vadd.f32 v40, v39;
	(erf) = vrcp.f32 v46  }
0xe6: {  	v49 =	vadd.f32 v42, v41;
	(erf) = vrcp.f32 v47  }
0xe7: {  	v50 =	vadd.f32 v45, v43;
	(erf) = vrcp.f32 v48  }
0xe8: {  	(erf) = vrcp.f32 v49  }
0xe9: {  	(erf) = vrcp.f32 v50;
	_ =	sdelay $0x1  }
0xea: {  	v51 =	vpop (erf)  }
0xeb: {  	v52 =	vpop (erf);
	v0 =	vmul.f32 v51, v29  }
0xec: {  	v53 =	vpop (erf);
	v2 =	vmul.f32 v52, v31  }
0xed: {  	v54 =	vpop (erf);
	[tilespmem:$0x980] =	vst v0;
	v55 =	vmul.f32 v53, v33  }
0xee: {  	v56 =	vpop (erf);
	[tilespmem:$0x990] =	vst v2;
	v57 =	vmul.f32 v54, v35  }
0xef: {  	v58 =	vpop (erf);
	[tilespmem:$0x9A0] =	vst v55;
	v59 =	vmul.f32 v56, v37  }
0xf0: {  	v60 =	vpop (erf);
	[tilespmem:$0x9B0] =	vst v57;
	v61 =	vmul.f32 v58, v39  }
0xf1: {  	[tilespmem:$0x9C0] =	vst v59;
	v62 =	vmul.f32 v60, v41;
	v63 =	vpop (erf)  }
0xf2: {  	[tilespmem:$0x9D0] =	vst v61;
	v1 =	vmul.f32 v63, v43  }
0xf3: {  	[tilespmem:$0x9E0] =	vst v62  }
0xf4: {  	s24 =	rddreg [dreg:$0xf];
	[tilespmem:$0x9F0] =	vst v1  }
0xf5: {  	[hbm4b:s24+s3] =	stream.linear.scatter [tilespmem:s31], [sflag:$0x11], $0x80, $0x38;
	[tilespmem:$0xA00] =	vst v63  }
0xf6: {  	_ =	swait.ge [sflag:s1], $0x80  }
0xf7: {  	[sflag:s1] =	ssyncset.done $0x0  }
0xf8: {  	[sflag:s1] =	ssyncadd.s32 $0xFFFFFF80  }
0xf9: {  	_ =	swait.ge [sflag:s1], $0x80  }
0xfa: {  	[sflag:s1] =	ssyncset.done $0x0  }
0xfb: {  	[sflag:s1] =	ssyncadd.s32 $0xFFFFFF80  }
0xfc: {  	p0 =	sne.s32 s4, $0x1;
	_ =	swait.ge [sflag:s1], $0x80  }
.Ltmp0:
0xfd: {  	[sflag:s1] =	ssyncset.done $0x0;
	(pc) =	sbr.rel @p0 .LBB2_1-.Ltmp0, $4  }
0xfe: {  	[sflag:s1] =	ssyncadd.s32 $0xFFFFFF80  }
0xff: {  	_ =	swait.ge [sflag:s1], $0x80  }
0x100: {  	[sflag:s1] =	ssyncset.done $0x0  }
0x101: {  	s4 =	sadd.s32 $0xFFFFFFFF, s4;
	[sflag:s1] =	ssyncadd.s32 $0xFFFFFF80  }
0x102: {  	_ =	sfence.sel $0x180000  }
0x103: {  	[bflag:$0x0] =	sbarrier.arrive $0xFFFF  }
0x104: {  	_ =	strace $0x90000047  }
0x105: {  	s0 =	stileid.u32;
	[bflag:$0x2] =	sbarrier.arrive $0xFFFF  }
0x106: {  	p0 =	sne.s32 s0, $0x0;
	s0 =	rddreg [dreg:$0x3]  }
0x107: {  	s0 =	sadd.s32 @!p0 $0x100000, s0  }
0x108: {  	[sflag:s0] =	ssyncadd.tile.s32 @!p0 $0x1;
	_ =	shalt  }
.Lfunc_end2:
_tile_overlayer_lowered:
.L_overlay_start_2:
0x109: {  	(tag) =	ssettag $0x2  }
0x10a: {  	s0 =	rddreg [dreg:$0x0];
	s2 =	stileid.u32  }
0x10b: {  	s1 =	rddreg [dreg:$0x1];
	p0 =	sne.s32 s2, $0x0  }
0x10c: {  	s3 =	rddreg [dreg:$0x2];
	[bflag:$0x3] =	sbarrier.arrive $0xFFFF;
	s2 =	simm.s32 @!p0 $0x1C12  }
0x10d: {  	[timem:s3], [sflag:s2] =	dma.local @!p0 [hbm:s0], s1  }
0x10e: {  	s0 =	simm.s32 @!p0 $0x12  }
0x10f: {  	_ =	swait.ge @!p0 [sflag:s0], s1  }
0x110: {  	s1 =	ssub.s32 @!p0 $0x0, s1;
	[sflag:s0] =	ssyncset.done @!p0 $0x0  }
0x111: {  	[sflag:s0] =	ssyncadd.s32 @!p0 s1  }
0x112: {  	[bflag:$0x3] =	sbarrier.arrive $0xFFFF  }
0x113: {  	_ =	shalt  }

</sc_bundles>
